<compile_context>
chip_gen: v7x
topology: tpu7x:2x2x1
jax: 0.10.2.dev20260603
libtpu: 0.0.44.dev20260713+nightly
codegen_flags: <defaults>
</compile_context>

<pallas_src>
import functools

import jax
import jax.numpy as jnp
from jax import lax
from jax.experimental import pallas as pl
from jax.experimental.pallas import tpu as pltpu
from jax.experimental.pallas import tpu_sc as plsc

N = 5000
SEG = 5008
NCHUNK = SEG // 16
FLAT = 6 * SEG + 16
CAP = SEG + 16
NW = 16
CPW = 5
HUMAN = 1
MAXK = 15
SCORE_THRESH = 0.2
NMS_THRESH = 0.5
NEG = -1e30
BIGI = 1 << 30
OX1, OY1, OX2, OY2, OSC, OLAB = (0, SEG, 2 * SEG, 3 * SEG, 4 * SEG, 5 * SEG)

_mesh = plsc.VectorSubcoreMesh(
    core_axis_name="c", subcore_axis_name="s", num_cores=1)


@functools.partial(
    pl.kernel,
    out_type=jax.ShapeDtypeStruct((30, 5), jnp.float32),
    mesh=_mesh,
    scratch_types=[
        pltpu.VMEM((FLAT,), jnp.float32),
        pltpu.VMEM((CAP,), jnp.int32),
        pltpu.VMEM((CAP,), jnp.float32),
        pltpu.VMEM((CAP,), jnp.int32),
        pltpu.VMEM((CAP,), jnp.float32),
        pltpu.VMEM((CAP,), jnp.float32),
        pltpu.VMEM((CAP,), jnp.float32),
        pltpu.VMEM((CAP,), jnp.float32),
        pltpu.VMEM((CPW * 16,), jnp.float32),
        pltpu.VMEM((CPW * 16,), jnp.int32),
        pltpu.VMEM((16,), jnp.float32),
        pltpu.VMEM((16,), jnp.int32),
        pltpu.VMEM_SHARED(((NW + 1) * 16,), jnp.float32),
        pltpu.VMEM_SHARED(((NW + 1) * 16,), jnp.int32),
        pltpu.VMEM(((NW + 1) * 16,), jnp.float32),
        pltpu.VMEM(((NW + 1) * 16,), jnp.int32),
        pltpu.VMEM((30, 5), jnp.float32),
    ],
    compiler_params=pltpu.CompilerParams(needs_layout_passes=False),
)
def _nms_sc(fh, outh,
            fv, pi, cs, ci, cx1, cy1, cx2, cy2,
            locs, loci, tops, topi, shs, shi, msv, miv, outv):
    wid = lax.axis_index("s")
    iota = lax.iota(jnp.int32, 16)
    lane0 = iota == 0

    def splat_f(x):
        return jnp.full((16,), 0.0, jnp.float32) + x

    def splat_i(x):
        return jnp.full((16,), 0, jnp.int32) + x

    with jax.named_scope("ph_dma"):
        pltpu.sync_copy(fh, fv.at[pl.ds(0, 6 * SEG)])

    def p1_body(j, carry):
        wp, mvc = carry
        for u in range(2):
            b = (2 * j + u) * 16
            sc = fv[pl.ds(OSC + b, 16)]
            lab = fv[pl.ds(OLAB + b, 16)].astype(jnp.int32)
            m = (sc >= SCORE_THRESH) & ((lab & 15) == wid)
            plsc.store_compressed(pi.at[pl.ds(wp, 16)], b + iota, mask=m)
            wp = wp + plsc.all_reduce_population_count(m)[0]
            mvc = jnp.maximum(mvc, fv[pl.ds(OX2 + b, 16)])
            mvc = jnp.maximum(mvc, fv[pl.ds(OY2 + b, 16)])
        return wp, mvc
    with jax.named_scope("ph_p1"):
        npool, mvec = lax.fori_loop(
            0, NCHUNK // 2, p1_body,
            (jnp.int32(0), jnp.zeros((16,), jnp.float32)))
    _b = (NCHUNK - 1) * 16
    _sc = fv[pl.ds(OSC + _b, 16)]
    _lab = fv[pl.ds(OLAB + _b, 16)].astype(jnp.int32)
    _m = (_sc >= SCORE_THRESH) & ((_lab & 15) == wid)
    plsc.store_compressed(pi.at[pl.ds(npool, 16)], _b + iota, mask=_m)
    npool = npool + plsc.all_reduce_population_count(_m)[0]
    mvec = jnp.maximum(mvec, fv[pl.ds(OX2 + _b, 16)])
    mvec = jnp.maximum(mvec, fv[pl.ds(OY2 + _b, 16)])
    maxc = jnp.max(mvec)
    npc = (npool + 15) // 16

    def class_body(k, _):
        c = wid + 16 * k
        cf = c.astype(jnp.float32)

        def cb(j, cp):
            b = j * 16
            ii = pi[pl.ds(b, 16)]
            mv = (b + iota) < npool
            labg = plsc.load_gather(fv, [ii + OLAB], mask=mv)
            m = mv & (labg == cf)
            plsc.store_compressed(ci.at[pl.ds(cp, 16)], ii, mask=m)
            return cp + plsc.all_reduce_population_count(m)[0]
        nc = lax.fori_loop(0, npc, cb, jnp.int32(0))
        ncc = (nc + 15) // 16

        offc = cf * (maxc + 1.0)

        def gb(j, carry):
            bs, bp = carry
            b = j * 16
            iv = ci[pl.ds(b, 16)]
            mval = (b + iota) < nc
            sg = plsc.load_gather(fv, [iv + OSC], mask=mval)
            cs[pl.ds(b, 16)] = sg
            cx1[pl.ds(b, 16)] = plsc.load_gather(fv, [iv], mask=mval) + offc
            cy1[pl.ds(b, 16)] = (
                plsc.load_gather(fv, [iv + OY1], mask=mval) + offc)
            cx2[pl.ds(b, 16)] = (
                plsc.load_gather(fv, [iv + OX2], mask=mval) + offc)
            cy2[pl.ds(b, 16)] = (
                plsc.load_gather(fv, [iv + OY2], mask=mval) + offc)
            s = jnp.where(mval, sg, NEG)
            upd = s > bs
            return jnp.where(upd, s, bs), jnp.where(upd, b + iota, bp)
        bs0, bp0 = lax.fori_loop(
            0, ncc, gb,
            (jnp.full((16,), NEG, jnp.float32),
             jnp.full((16,), BIGI, jnp.int32)))

        def sel(t, carry):
            ks, ki, bs, bp = carry
            m = jnp.max(bs)
            found = m >= 0.0
            p = jnp.where(found, jnp.min(jnp.where(bs == m, bp, BIGI)), 0)
            sv = cs[pl.ds(p, 16)][0]
            iv = ci[pl.ds(p, 16)][0]
            hit = found & (iota == t)
            ks = jnp.where(hit, sv, ks)
            ki = jnp.where(hit, iv, ki)

            def do_sweep():
                bx1 = cx1[pl.ds(p, 16)][0]
                by1 = cy1[pl.ds(p, 16)][0]
                bx2 = cx2[pl.ds(p, 16)][0]
                by2 = cy2[pl.ds(p, 16)][0]
                barea = (bx2 - bx1) * (by2 - by1)

                def sup(j, amc):
                    nbs, nbp = amc
                    b = j * 16
                    X1 = cx1[pl.ds(b, 16)]
                    Y1 = cy1[pl.ds(b, 16)]
                    X2 = cx2[pl.ds(b, 16)]
                    Y2 = cy2[pl.ds(b, 16)]
                    s2 = cs[pl.ds(b, 16)]
                    ix = jnp.maximum(
                        jnp.minimum(bx2, X2) - jnp.maximum(bx1, X1), 0.0)
                    iy = jnp.maximum(
                        jnp.minimum(by2, Y2) - jnp.maximum(by1, Y1), 0.0)
                    inter = ix * iy
                    areas = (X2 - X1) * (Y2 - Y1)
                    union = barea + areas - inter
                    iou = inter / jnp.maximum(union, 1e-9)
                    s_new = jnp.where(iou > NMS_THRESH, NEG, s2)
                    cs[pl.ds(b, 16)] = s_new
                    s = jnp.where((b + iota) < nc, s_new, NEG)
                    upd = s > nbs
                    return (jnp.where(upd, s, nbs),
                            jnp.where(upd, b + iota, nbp))
                return lax.fori_loop(
                    0, ncc, sup,
                    (jnp.full((16,), NEG, jnp.float32),
                     jnp.full((16,), BIGI, jnp.int32)))

            bs, bp = lax.cond(
                found, do_sweep,
                lambda: (jnp.full((16,), NEG, jnp.float32),
                         jnp.full((16,), BIGI, jnp.int32)))
            return ks, ki, bs, bp
        ks, ki, _, _ = lax.fori_loop(
            0, MAXK, sel,
            (jnp.full((16,), NEG, jnp.float32),
             jnp.zeros((16,), jnp.int32), bs0, bp0))
        locs[pl.ds(k * 16, 16)] = ks
        loci[pl.ds(k * 16, 16)] = ki
        return 0
    with jax.named_scope("ph_cls"):
        lax.fori_loop(0, CPW, class_body, jnp.int32(0))

    def lt(t, carry):
        ts, ti = carry

        def am(j, amc):
            bs, bi, bp = amc
            b = j * 16
            s = locs[pl.ds(b, 16)]
            ii = loci[pl.ds(b, 16)]
            hm = (wid == HUMAN) & (j == 0)
            s = jnp.where(hm, NEG, s)
            upd = (s > bs) | ((s == bs) & (ii < bi))
            return (jnp.where(upd, s, bs), jnp.where(upd, ii, bi),
                    jnp.where(upd, b + iota, bp))
        bs, bi, bp = lax.fori_loop(
            0, CPW, am,
            (jnp.full((16,), NEG, jnp.float32),
             jnp.full((16,), BIGI, jnp.int32),
             jnp.full((16,), BIGI, jnp.int32)))
        m = jnp.max(bs)
        found = m >= 0.0
        im = jnp.min(jnp.where(bs == m, bi, BIGI))
        hit = found & (iota == t)
        ts = jnp.where(hit, m, ts)
        ti = jnp.where(hit, im, ti)

        @pl.when(found)
        def _():
            p = jnp.min(jnp.where((bs == m) & (bi == im), bp, BIGI))
            plsc.store_scatter(locs, [splat_i(p)], splat_f(NEG), mask=lane0)
        return ts, ti
    with jax.named_scope("ph_lt"):
        ts, ti = lax.fori_loop(
            0, MAXK, lt,
            (jnp.full((16,), NEG, jnp.float32), jnp.zeros((16,), jnp.int32)))
    tops[...] = ts
    topi[...] = ti

    pltpu.sync_copy(tops, shs.at[pl.ds(wid * 16, 16)])
    pltpu.sync_copy(topi, shi.at[pl.ds(wid * 16, 16)])

    @pl.when(wid == HUMAN)
    def _():
        pltpu.sync_copy(locs.at[pl.ds(0, 16)], shs.at[pl.ds(NW * 16, 16)])
        pltpu.sync_copy(loci.at[pl.ds(0, 16)], shi.at[pl.ds(NW * 16, 16)])

    with jax.named_scope("ph_bar"):
        plsc.subcore_barrier()

    @pl.when(wid == 0)
    def _():
        pltpu.sync_copy(shs, msv)
        pltpu.sync_copy(shi, miv)

        def gt(t, carry):
            osv, oiv = carry

            def am(j, amc):
                bs, bi, bp = amc
                b = j * 16
                s = msv[pl.ds(b, 16)]
                ii = miv[pl.ds(b, 16)]
                upd = (s > bs) | ((s == bs) & (ii < bi))
                return (jnp.where(upd, s, bs), jnp.where(upd, ii, bi),
                        jnp.where(upd, b + iota, bp))
            bs, bi, bp = lax.fori_loop(
                0, NW, am,
                (jnp.full((16,), NEG, jnp.float32),
                 jnp.full((16,), BIGI, jnp.int32),
                 jnp.full((16,), BIGI, jnp.int32)))
            m = jnp.max(bs)
            found = m >= 0.0
            im = jnp.min(jnp.where(bs == m, bi, BIGI))
            hit = found & (iota == t)
            osv = jnp.where(hit, m, osv)
            oiv = jnp.where(hit, im, oiv)

            @pl.when(found)
            def _():
                p = jnp.min(jnp.where((bs == m) & (bi == im), bp, BIGI))
                plsc.store_scatter(msv, [splat_i(p)], splat_f(NEG),
                                   mask=lane0)
            return osv, oiv
        osv, oiv = lax.fori_loop(
            0, MAXK, gt,
            (jnp.full((16,), NEG, jnp.float32),
             jnp.zeros((16,), jnp.int32)))

        hsv = msv[pl.ds(NW * 16, 16)]
        hiv = miv[pl.ds(NW * 16, 16)]

        def emit(svec, ivec, row0):
            valid = svec >= 0.0
            rows = row0 + iota
            rmask = iota < MAXK
            gx1 = plsc.load_gather(fv, [ivec])
            gy1 = plsc.load_gather(fv, [ivec + OY1])
            gx2 = plsc.load_gather(fv, [ivec + OX2])
            gy2 = plsc.load_gather(fv, [ivec + OY2])
            z = jnp.zeros((16,), jnp.float32)
            plsc.store_scatter(outv, [rows, splat_i(0)],
                               jnp.where(valid, gx1, z), mask=rmask)
            plsc.store_scatter(outv, [rows, splat_i(1)],
                               jnp.where(valid, gy1, z), mask=rmask)
            plsc.store_scatter(outv, [rows, splat_i(2)],
                               jnp.where(valid, gx2, z), mask=rmask)
            plsc.store_scatter(outv, [rows, splat_i(3)],
                               jnp.where(valid, gy2, z), mask=rmask)
            plsc.store_scatter(outv, [rows, splat_i(4)],
                               jnp.where(valid, svec, z), mask=rmask)

        emit(hsv, jnp.where(hsv >= 0.0, hiv, 0), 0)
        emit(osv, oiv, MAXK)

        pltpu.sync_copy(outv, outh)


def kernel(boxes, scores, labels):
    pad = SEG - N
    flat = jnp.concatenate([
        jnp.pad(boxes[:, 0], (0, pad)),
        jnp.pad(boxes[:, 1], (0, pad)),
        jnp.pad(boxes[:, 2], (0, pad)),
        jnp.pad(boxes[:, 3], (0, pad)),
        jnp.pad(scores, (0, pad), constant_values=-1.0),
        jnp.pad(labels.astype(jnp.float32), (0, pad)),
    ])
    return _nms_sc(flat)

# --- scband reference (transcript-rebuilt; emitter-appended) ---
"""Pipeline reference for scband-interaction-head-60198261621546 (READ-ONLY COPY).

The authoritative reference and input builder live on the scoring server;
editing this copy changes nothing except your own understanding.
"""

import jax, jax.numpy as jnp
import numpy as np

HUMAN_IDX = 1
NUM_CLASSES = 80
NMS_THRESH = 0.5
SCORE_THRESH = 0.2
MAX_HUMAN = 15
MAX_OBJECT = 15
N_BOXES = 5000


def setup_inputs(seed: int = 0):
    key = jax.random.key(seed)
    k1, k2, k3, k4 = jax.random.split(key, 4)
    xy = jax.random.uniform(k1, (N_BOXES, 2), dtype=jnp.float32) * 800.0
    wh = jax.random.uniform(k2, (N_BOXES, 2), dtype=jnp.float32) * 96.0 + 4.0
    boxes = jnp.concatenate([xy, xy + wh], axis=1)
    scores = jax.random.uniform(k3, (N_BOXES,), dtype=jnp.float32)
    labels = jax.random.randint(k4, (N_BOXES,), 0, NUM_CLASSES)
    return {'boxes': boxes, 'scores': scores, 'labels': labels}


def _iou_row(box, boxes):
    x1 = jnp.maximum(box[0], boxes[:, 0])
    y1 = jnp.maximum(box[1], boxes[:, 1])
    x2 = jnp.minimum(box[2], boxes[:, 2])
    y2 = jnp.minimum(box[3], boxes[:, 3])
    inter = jnp.clip(x2 - x1, 0.0) * jnp.clip(y2 - y1, 0.0)
    area1 = (box[2] - box[0]) * (box[3] - box[1])
    areas = (boxes[:, 2] - boxes[:, 0]) * (boxes[:, 3] - boxes[:, 1])
    union = area1 + areas - inter
    return inter / jnp.maximum(union, 1e-9)


def _forward(boxes, scores, labels):
    n = scores.shape[0]
    # score thresholding (active_idx in torch code); inactive boxes pushed to end
    active = scores >= SCORE_THRESH
    # batched_nms: offset boxes by class so cross-class boxes never overlap
    max_coord = jnp.max(boxes)
    offsets = labels.astype(boxes.dtype) * (max_coord + 1.0)
    ob = boxes + offsets[:, None]
    eff = jnp.where(active, scores, -1.0)
    order = jnp.argsort(-eff)
    b_s = jax.lax.stop_gradient(ob[order])
    sc_s = eff[order]
    lab_s = labels[order]
    raw_b = boxes[order]
    raw_s = scores[order]
    idxs = jnp.arange(n)
    keep0 = jax.lax.stop_gradient(sc_s >= 0.0)

    # greedy NMS over score-sorted boxes
    def body(i, keep):
        row = _iou_row(b_s[i], b_s)
        sup = (row > NMS_THRESH) & (idxs > i) & keep[i]
        return keep & (~sup)

    keep = jax.lax.fori_loop(0, n, body, keep0)

    # split survivors (already sorted by descending score) into humans / objects
    is_h = keep & (lab_s == HUMAN_IDX)
    is_o = keep & (lab_s != HUMAN_IDX)
    h_rank = jnp.cumsum(is_h.astype(jnp.int32)) - 1
    o_rank = jnp.cumsum(is_o.astype(jnp.int32)) - 1
    h_sel = is_h & (h_rank < MAX_HUMAN)
    o_sel = is_o & (o_rank < MAX_OBJECT)
    neg = jnp.float32(-1e30)
    h_key = jnp.where(h_sel, sc_s, neg)
    o_key = jnp.where(o_sel, sc_s, neg)
    h_vals, h_idx = jax.lax.top_k(h_key, MAX_HUMAN)
    o_vals, o_idx = jax.lax.top_k(o_key, MAX_OBJECT)
    sel = jnp.concatenate([h_idx, o_idx])
    valid = jnp.concatenate([h_vals, o_vals]) > (neg * 0.5)
    out_boxes = jnp.where(valid[:, None], raw_b[sel], 0.0)
    out_scores = jnp.where(valid, raw_s[sel], 0.0)
    return jnp.concatenate([out_boxes, out_scores[:, None]], axis=1)


def reference(boxes, scores, labels):
    return _forward(boxes, scores, labels)

if __name__ == "__main__":
    import jax
    _d = setup_inputs()
    print(jax.jit(kernel)(*tuple(_d.values())))

</pallas_src>

<mosaic_0001>
#map = affine_map<(d0, d1) -> (0)>
#map1 = affine_map<(d0, d1) -> (0, 0)>
module attributes {stable_mosaic.version = 14 : i64} {
  func.func @_nms_sc(%arg0: i32, %arg1: i32, %arg2: memref<30048xf32, #tpu.memory_space<hbm>>, %arg3: memref<30x5xf32, #tpu.memory_space<hbm>>, %arg4: memref<30064xf32, #tpu.memory_space<vmem>>, %arg5: memref<5024xi32, #tpu.memory_space<vmem>>, %arg6: memref<5024xf32, #tpu.memory_space<vmem>>, %arg7: memref<5024xi32, #tpu.memory_space<vmem>>, %arg8: memref<5024xf32, #tpu.memory_space<vmem>>, %arg9: memref<5024xf32, #tpu.memory_space<vmem>>, %arg10: memref<5024xf32, #tpu.memory_space<vmem>>, %arg11: memref<5024xf32, #tpu.memory_space<vmem>>, %arg12: memref<80xf32, #tpu.memory_space<vmem>>, %arg13: memref<80xi32, #tpu.memory_space<vmem>>, %arg14: memref<16xf32, #tpu.memory_space<vmem>>, %arg15: memref<16xi32, #tpu.memory_space<vmem>>, %arg16: memref<272xf32, #tpu.memory_space<vmem_shared>>, %arg17: memref<272xi32, #tpu.memory_space<vmem_shared>>, %arg18: memref<272xf32, #tpu.memory_space<vmem>>, %arg19: memref<272xi32, #tpu.memory_space<vmem>>, %arg20: memref<30x5xf32, #tpu.memory_space<vmem>>) attributes {dimension_semantics = [#tpu.dimension_semantics<core_parallel>, #tpu.dimension_semantics<subcore_parallel>], iteration_bounds = array<i64: 1, 16>, scalar_prefetch = 0 : i64, scratch_operands = 17 : i64, tpu.core_type = #tpu.core_type<sc_vector_subcore>, window_params = [{transform_indices = #map}, {transform_indices = #map1}]} {
    %iota3A = tpu.iota {dimensions = array<i32: 0>} : vector<16xi32>
    %eq3A = arith.constant 0 : i32
    %eq3A_0 = vector.broadcast %eq3A : i32 to vector<16xi32>
    %eq3A_1 = arith.cmpi eq, %iota3A, %eq3A_0 : vector<16xi32>
    "tpu.trace_start"() <{level = 10 : i32, message = "ph_dma"}> : () -> ()
    "tpu.region"() ({
      %run_scoped3A = tpu.sem_alloc : memref<!tpu.dma_semaphore, #tpu.memory_space<semaphore_mem>>
      %dma_start3A = arith.constant 0 : i32
      %dma_start3A_83 = tpu.memref_slice %arg4[%dma_start3A] : memref<30064xf32, #tpu.memory_space<vmem>> -> memref<30048xf32, #tpu.memory_space<vmem>>
      %dma_start3A_84 = arith.constant 0 : i32
      %dma_start3A_85 = tpu.memref_slice %arg4[%dma_start3A_84] : memref<30064xf32, #tpu.memory_space<vmem>> -> memref<30048xf32, #tpu.memory_space<vmem>>
      tpu.enqueue_dma source(%arg2 : memref<30048xf32, #tpu.memory_space<hbm>>) target(%dma_start3A_85 : memref<30048xf32, #tpu.memory_space<vmem>>) target_semaphore(%run_scoped3A : memref<!tpu.dma_semaphore, #tpu.memory_space<semaphore_mem>>)
      %dma_wait3A = arith.constant 0 : i32
      %dma_wait3A_86 = tpu.memref_slice %arg4[%dma_wait3A] : memref<30064xf32, #tpu.memory_space<vmem>> -> memref<30048xf32, #tpu.memory_space<vmem>>
      %dma_wait3A_87 = arith.constant 0 : i32
      %dma_wait3A_88 = tpu.memref_slice %arg4[%dma_wait3A_87] : memref<30064xf32, #tpu.memory_space<vmem>> -> memref<30048xf32, #tpu.memory_space<vmem>>
      tpu.wait_dma2 semaphore(%run_scoped3A : memref<!tpu.dma_semaphore, #tpu.memory_space<semaphore_mem>>) src(%arg2 : memref<30048xf32, #tpu.memory_space<hbm>>) dst(%dma_wait3A_88 : memref<30048xf32, #tpu.memory_space<vmem>>)
      tpu.yield
    }) : () -> ()
    %broadcast_in_dim3A = arith.constant 0.000000e+00 : f32
    "tpu.trace_stop"() : () -> ()
    "tpu.trace_start"() <{level = 10 : i32, message = "ph_p1"}> : () -> ()
    %broadcast_in_dim3A_2 = vector.broadcast %broadcast_in_dim3A : f32 to vector<16xf32>
    %scan3A = arith.constant 0 : i32
    %scan3A_3 = arith.constant 0 : i32
    %scan3A_4 = arith.constant 156 : i32
    %scan3A_5 = arith.addi %scan3A_3, %scan3A_4 : i32
    %scan3A_6 = arith.constant 1 : i32
    %scan3A_7:2 = scf.for %scan3A_83 = %scan3A_3 to %scan3A_5 step %scan3A_6 iter_args(%scan3A_84 = %scan3A, %scan3A_85 = %broadcast_in_dim3A_2) -> (i32, vector<16xf32>)  : i32 {
      %mul3A_86 = arith.constant 2 : i32
      %mul3A_87 = arith.muli %mul3A_86, %scan3A_83 : i32
      %add3A_88 = arith.constant 0 : i32
      %add3A_89 = arith.addi %mul3A_87, %add3A_88 : i32
      %mul3A_90 = arith.constant 16 : i32
      %mul3A_91 = arith.muli %add3A_89, %mul3A_90 : i32
      %add3A_92 = arith.constant 20032 : i32
      %add3A_93 = arith.addi %add3A_92, %mul3A_91 : i32
      %get3A_94 = arith.index_cast %add3A_93 : i32 to index
      %get3A_95 = tpu.vector_load %arg4[%get3A_94] {strides = array<i32>} : memref<30064xf32, #tpu.memory_space<vmem>>, vector<16xf32>,
      %add3A_96 = arith.constant 25040 : i32
      %add3A_97 = arith.addi %add3A_96, %mul3A_91 : i32
      %get3A_98 = arith.index_cast %add3A_97 : i32 to index
      %get3A_99 = tpu.vector_load %arg4[%get3A_98] {strides = array<i32>} : memref<30064xf32, #tpu.memory_space<vmem>>, vector<16xf32>,
      %convert_element_type3A_100 = arith.fptosi %get3A_99 : vector<16xf32> to vector<16xi32>
      %ge3A_101 = arith.constant 2.000000e-01 : f32
      %ge3A_102 = vector.broadcast %ge3A_101 : f32 to vector<16xf32>
      %ge3A_103 = arith.cmpf oge, %get3A_95, %ge3A_102 : vector<16xf32>
      %and3A_104 = arith.constant 15 : i32
      %and3A_105 = vector.broadcast %and3A_104 : i32 to vector<16xi32>
      %and3A_106 = arith.andi %convert_element_type3A_100, %and3A_105 : vector<16xi32>
      %eq3A_107 = vector.broadcast %arg1 : i32 to vector<16xi32>
      %eq3A_108 = arith.cmpi eq, %and3A_106, %eq3A_107 : vector<16xi32>
      %and3A_109 = arith.andi %ge3A_103, %eq3A_108 : vector<16xi1>
      %add3A_110 = vector.broadcast %mul3A_91 : i32 to vector<16xi32>
      %add3A_111 = arith.addi %add3A_110, %iota3A : vector<16xi32>
      %swap3A_112 = arith.index_cast %scan3A_84 : i32 to index
      %swap3A_113 = tpu.vector_load %arg5[%swap3A_112] masked %and3A_109 {strides = array<i32>} : memref<5024xi32, #tpu.memory_space<vmem>>, vector<16xi32>, vector<16xi1>
      tpu.vector_store %arg5[%swap3A_112], %add3A_111 masked %and3A_109 {strides = array<i32>} : memref<5024xi32, #tpu.memory_space<vmem>>, vector<16xi32>, vector<16xi1>
      %all_reduce_population_count3A_114 = tpu.all_reduce %and3A_109 {dim = 0 : i64, kind = #tpu.reduction_kind<sum>} : vector<16xi1> -> vector<16xi32>
      %slice3A_115 = vector.extract_strided_slice %all_reduce_population_count3A_114 {offsets = [0], sizes = [1], strides = [1]} : vector<16xi32> to vector<1xi32>
      %squeeze3A_116 = vector.extract %slice3A_115[0] : i32 from vector<1xi32>
      %add3A_117 = arith.addi %scan3A_84, %squeeze3A_116 : i32
      %add3A_118 = arith.constant 10016 : i32
      %add3A_119 = arith.addi %add3A_118, %mul3A_91 : i32
      %get3A_120 = arith.index_cast %add3A_119 : i32 to index
      %get3A_121 = tpu.vector_load %arg4[%get3A_120] {strides = array<i32>} : memref<30064xf32, #tpu.memory_space<vmem>>, vector<16xf32>,
      %max3A_122 = arith.maximumf %scan3A_85, %get3A_121 : vector<16xf32>
      %add3A_123 = arith.constant 15024 : i32
      %add3A_124 = arith.addi %add3A_123, %mul3A_91 : i32
      %get3A_125 = arith.index_cast %add3A_124 : i32 to index
      %get3A_126 = tpu.vector_load %arg4[%get3A_125] {strides = array<i32>} : memref<30064xf32, #tpu.memory_space<vmem>>, vector<16xf32>,
      %max3A_127 = arith.maximumf %max3A_122, %get3A_126 : vector<16xf32>
      %mul3A_128 = arith.constant 2 : i32
      %mul3A_129 = arith.muli %mul3A_128, %scan3A_83 : i32
      %add3A_130 = arith.constant 1 : i32
      %add3A_131 = arith.addi %mul3A_129, %add3A_130 : i32
      %mul3A_132 = arith.constant 16 : i32
      %mul3A_133 = arith.muli %add3A_131, %mul3A_132 : i32
      %add3A_134 = arith.constant 20032 : i32
      %add3A_135 = arith.addi %add3A_134, %mul3A_133 : i32
      %get3A_136 = arith.index_cast %add3A_135 : i32 to index
      %get3A_137 = tpu.vector_load %arg4[%get3A_136] {strides = array<i32>} : memref<30064xf32, #tpu.memory_space<vmem>>, vector<16xf32>,
      %add3A_138 = arith.constant 25040 : i32
      %add3A_139 = arith.addi %add3A_138, %mul3A_133 : i32
      %get3A_140 = arith.index_cast %add3A_139 : i32 to index
      %get3A_141 = tpu.vector_load %arg4[%get3A_140] {strides = array<i32>} : memref<30064xf32, #tpu.memory_space<vmem>>, vector<16xf32>,
      %convert_element_type3A_142 = arith.fptosi %get3A_141 : vector<16xf32> to vector<16xi32>
      %ge3A_143 = arith.constant 2.000000e-01 : f32
      %ge3A_144 = vector.broadcast %ge3A_143 : f32 to vector<16xf32>
      %ge3A_145 = arith.cmpf oge, %get3A_137, %ge3A_144 : vector<16xf32>
      %and3A_146 = arith.constant 15 : i32
      %and3A_147 = vector.broadcast %and3A_146 : i32 to vector<16xi32>
      %and3A_148 = arith.andi %convert_element_type3A_142, %and3A_147 : vector<16xi32>
      %eq3A_149 = vector.broadcast %arg1 : i32 to vector<16xi32>
      %eq3A_150 = arith.cmpi eq, %and3A_148, %eq3A_149 : vector<16xi32>
      %and3A_151 = arith.andi %ge3A_145, %eq3A_150 : vector<16xi1>
      %add3A_152 = vector.broadcast %mul3A_133 : i32 to vector<16xi32>
      %add3A_153 = arith.addi %add3A_152, %iota3A : vector<16xi32>
      %swap3A_154 = arith.index_cast %add3A_117 : i32 to index
      %swap3A_155 = tpu.vector_load %arg5[%swap3A_154] masked %and3A_151 {strides = array<i32>} : memref<5024xi32, #tpu.memory_space<vmem>>, vector<16xi32>, vector<16xi1>
      tpu.vector_store %arg5[%swap3A_154], %add3A_153 masked %and3A_151 {strides = array<i32>} : memref<5024xi32, #tpu.memory_space<vmem>>, vector<16xi32>, vector<16xi1>
      %all_reduce_population_count3A_156 = tpu.all_reduce %and3A_151 {dim = 0 : i64, kind = #tpu.reduction_kind<sum>} : vector<16xi1> -> vector<16xi32>
      %slice3A_157 = vector.extract_strided_slice %all_reduce_population_count3A_156 {offsets = [0], sizes = [1], strides = [1]} : vector<16xi32> to vector<1xi32>
      %squeeze3A_158 = vector.extract %slice3A_157[0] : i32 from vector<1xi32>
      %add3A_159 = arith.addi %add3A_117, %squeeze3A_158 : i32
      %add3A_160 = arith.constant 10016 : i32
      %add3A_161 = arith.addi %add3A_160, %mul3A_133 : i32
      %get3A_162 = arith.index_cast %add3A_161 : i32 to index
      %get3A_163 = tpu.vector_load %arg4[%get3A_162] {strides = array<i32>} : memref<30064xf32, #tpu.memory_space<vmem>>, vector<16xf32>,
      %max3A_164 = arith.maximumf %max3A_127, %get3A_163 : vector<16xf32>
      %add3A_165 = arith.constant 15024 : i32
      %add3A_166 = arith.addi %add3A_165, %mul3A_133 : i32
      %get3A_167 = arith.index_cast %add3A_166 : i32 to index
      %get3A_168 = tpu.vector_load %arg4[%get3A_167] {strides = array<i32>} : memref<30064xf32, #tpu.memory_space<vmem>>, vector<16xf32>,
      %max3A_169 = arith.maximumf %max3A_164, %get3A_168 : vector<16xf32>
      scf.yield %add3A_159, %max3A_169 : i32, vector<16xf32>
    }
    %scan3A_8 = arith.constant 156 : i32
    "tpu.trace_stop"() : () -> ()
    %get3A = arith.constant 25024 : index
    %get3A_9 = tpu.vector_load %arg4[%get3A] {strides = array<i32>} : memref<30064xf32, #tpu.memory_space<vmem>>, vector<16xf32>,
    %get3A_10 = arith.constant 30032 : index
    %get3A_11 = tpu.vector_load %arg4[%get3A_10] {strides = array<i32>} : memref<30064xf32, #tpu.memory_space<vmem>>, vector<16xf32>,
    %convert_element_type3A = arith.fptosi %get3A_11 : vector<16xf32> to vector<16xi32>
    %ge3A = arith.constant 2.000000e-01 : f32
    %ge3A_12 = vector.broadcast %ge3A : f32 to vector<16xf32>
    %ge3A_13 = arith.cmpf oge, %get3A_9, %ge3A_12 : vector<16xf32>
    %and3A = arith.constant 15 : i32
    %and3A_14 = vector.broadcast %and3A : i32 to vector<16xi32>
    %and3A_15 = arith.andi %convert_element_type3A, %and3A_14 : vector<16xi32>
    %eq3A_16 = vector.broadcast %arg1 : i32 to vector<16xi32>
    %eq3A_17 = arith.cmpi eq, %and3A_15, %eq3A_16 : vector<16xi32>
    %and3A_18 = arith.andi %ge3A_13, %eq3A_17 : vector<16xi1>
    %add3A = arith.constant 4992 : i32
    %add3A_19 = vector.broadcast %add3A : i32 to vector<16xi32>
    %add3A_20 = arith.addi %add3A_19, %iota3A : vector<16xi32>
    %swap3A = arith.index_cast %scan3A_7#0 : i32 to index
    %swap3A_21 = tpu.vector_load %arg5[%swap3A] masked %and3A_18 {strides = array<i32>} : memref<5024xi32, #tpu.memory_space<vmem>>, vector<16xi32>, vector<16xi1>
    tpu.vector_store %arg5[%swap3A], %add3A_20 masked %and3A_18 {strides = array<i32>} : memref<5024xi32, #tpu.memory_space<vmem>>, vector<16xi32>, vector<16xi1>
    %all_reduce_population_count3A = tpu.all_reduce %and3A_18 {dim = 0 : i64, kind = #tpu.reduction_kind<sum>} : vector<16xi1> -> vector<16xi32>
    %slice3A = vector.extract_strided_slice %all_reduce_population_count3A {offsets = [0], sizes = [1], strides = [1]} : vector<16xi32> to vector<1xi32>
    %squeeze3A = vector.extract %slice3A[0] : i32 from vector<1xi32>
    %add3A_22 = arith.addi %scan3A_7#0, %squeeze3A : i32
    %get3A_23 = arith.constant 15008 : index
    %get3A_24 = tpu.vector_load %arg4[%get3A_23] {strides = array<i32>} : memref<30064xf32, #tpu.memory_space<vmem>>, vector<16xf32>,
    %max3A = arith.maximumf %scan3A_7#1, %get3A_24 : vector<16xf32>
    %get3A_25 = arith.constant 20016 : index
    %get3A_26 = tpu.vector_load %arg4[%get3A_25] {strides = array<i32>} : memref<30064xf32, #tpu.memory_space<vmem>>, vector<16xf32>,
    %max3A_27 = arith.maximumf %max3A, %get3A_26 : vector<16xf32>
    %reduce_max3A = arith.constant true
    %reduce_max3A_28 = vector.broadcast %reduce_max3A : i1 to vector<16xi1>
    %reduce_max3A_29 = tpu.scan <max>, %max3A_27 masked %reduce_max3A_28 : vector<16xf32>, vector<16xi1> -> vector<16xf32>
    %reduce_max3A_30 = vector.extract %reduce_max3A_29[15] : f32 from vector<16xf32>
    %add3A_31 = arith.constant 15 : i32
    %add3A_32 = arith.addi %add3A_22, %add3A_31 : i32
    %jit3A = arith.constant 16 : i32
    %div3A = arith.divsi %add3A_32, %jit3A : i32
    %sign3A = arith.constant 0 : i32
    %sign3A_33 = arith.cmpi sgt, %add3A_32, %sign3A : i32
    %sign3A_34 = arith.extui %sign3A_33 : i1 to i32
    %sign3A_35 = arith.constant 0 : i32
    %sign3A_36 = arith.cmpi slt, %add3A_32, %sign3A_35 : i32
    %sign3A_37 = arith.extui %sign3A_36 : i1 to i32
    %sign3A_38 = arith.subi %sign3A_34, %sign3A_37 : i32
    %sign3A_39 = arith.constant 0 : i32
    %sign3A_40 = arith.cmpi sgt, %jit3A, %sign3A_39 : i32
    %sign3A_41 = arith.extui %sign3A_40 : i1 to i32
    %sign3A_42 = arith.constant 0 : i32
    %sign3A_43 = arith.cmpi slt, %jit3A, %sign3A_42 : i32
    %sign3A_44 = arith.extui %sign3A_43 : i1 to i32
    %sign3A_45 = arith.subi %sign3A_41, %sign3A_44 : i32
    %ne3A = arith.cmpi ne, %sign3A_38, %sign3A_45 : i32
    %rem3A = arith.remsi %add3A_32, %jit3A : i32
    %ne3A_46 = arith.constant 0 : i32
    %ne3A_47 = arith.cmpi ne, %rem3A, %ne3A_46 : i32
    %and3A_48 = arith.andi %ne3A, %ne3A_47 : i1
    %sub3A = arith.constant 1 : i32
    %sub3A_49 = arith.subi %div3A, %sub3A : i32
    %select_n3A = arith.select %and3A_48, %sub3A_49, %div3A : i32
    "tpu.trace_start"() <{level = 10 : i32, message = "ph_cls"}> : () -> ()
    %scan3A_50 = arith.constant 0 : i32
    %scan3A_51 = arith.constant 0 : i32
    %scan3A_52 = arith.constant 5 : i32
    %scan3A_53 = arith.addi %scan3A_51, %scan3A_52 : i32
    %scan3A_54 = arith.constant 1 : i32
    %scan3A_55 = scf.for %scan3A_83 = %scan3A_51 to %scan3A_53 step %scan3A_54 iter_args(%scan3A_84 = %scan3A_50) -> (i32)  : i32 {
      %mul3A_85 = arith.constant 16 : i32
      %mul3A_86 = arith.muli %mul3A_85, %scan3A_83 : i32
      %add3A_87 = arith.addi %arg1, %mul3A_86 : i32
      %convert_element_type3A_88 = arith.sitofp %add3A_87 : i32 to f32
      %while3A = arith.constant 0 : i32
      %while3A_89 = arith.constant 0 : i32
      %while3A_90 = arith.subi %select_n3A, %while3A : i32
      %while3A_91 = arith.addi %while3A, %while3A_90 : i32
      %while3A_92 = arith.constant 1 : i32
      %while3A_93 = arith.divsi %while3A_90, %while3A_92 : i32
      %while3A_94 = arith.muli %while3A_93, %while3A_92 : i32
      %while3A_95 = arith.addi %while3A, %while3A_94 : i32
      %while3A_96 = arith.constant 1 : i32
      %while3A_97 = scf.for %while3A_163 = %while3A to %while3A_95 step %while3A_96 iter_args(%while3A_164 = %while3A_89) -> (i32)  : i32 {
        %mul3A_165 = arith.constant 16 : i32
        %mul3A_166 = arith.muli %while3A_163, %mul3A_165 : i32
        %get3A_167 = arith.index_cast %mul3A_166 : i32 to index
        %get3A_168 = tpu.vector_load %arg5[%get3A_167] {strides = array<i32>} : memref<5024xi32, #tpu.memory_space<vmem>>, vector<16xi32>,
        %add3A_169 = vector.broadcast %mul3A_166 : i32 to vector<16xi32>
        %add3A_170 = arith.addi %add3A_169, %iota3A : vector<16xi32>
        %lt3A = vector.broadcast %add3A_22 : i32 to vector<16xi32>
        %lt3A_171 = arith.cmpi slt, %add3A_170, %lt3A : vector<16xi32>
        %add3A_172 = arith.constant 25040 : i32
        %add3A_173 = vector.broadcast %add3A_172 : i32 to vector<16xi32>
        %add3A_174 = arith.addi %get3A_168, %add3A_173 : vector<16xi32>
        %gather3A = tpu.vector_load_idx %arg4[%add3A_174] masked %lt3A_171 : memref<30064xf32, #tpu.memory_space<vmem>>[vector<16xi32>], vector<16xf32>, vector<16xi1>
        %eq3A_175 = vector.broadcast %convert_element_type3A_88 : f32 to vector<16xf32>
        %eq3A_176 = arith.cmpf oeq, %gather3A, %eq3A_175 : vector<16xf32>
        %and3A_177 = arith.andi %lt3A_171, %eq3A_176 : vector<16xi1>
        %swap3A_178 = arith.index_cast %while3A_164 : i32 to index
        %swap3A_179 = tpu.vector_load %arg7[%swap3A_178] masked %and3A_177 {strides = array<i32>} : memref<5024xi32, #tpu.memory_space<vmem>>, vector<16xi32>, vector<16xi1>
        tpu.vector_store %arg7[%swap3A_178], %get3A_168 masked %and3A_177 {strides = array<i32>} : memref<5024xi32, #tpu.memory_space<vmem>>, vector<16xi32>, vector<16xi1>
        %all_reduce_population_count3A_180 = tpu.all_reduce %and3A_177 {dim = 0 : i64, kind = #tpu.reduction_kind<sum>} : vector<16xi1> -> vector<16xi32>
        %slice3A_181 = vector.extract_strided_slice %all_reduce_population_count3A_180 {offsets = [0], sizes = [1], strides = [1]} : vector<16xi32> to vector<1xi32>
        %squeeze3A_182 = vector.extract %slice3A_181[0] : i32 from vector<1xi32>
        %add3A_183 = arith.addi %while3A_164, %squeeze3A_182 : i32
        scf.yield %add3A_183 : i32
      }
      %while3A_98 = arith.constant 1 : i32
      %while3A_99 = scf.for %while3A_163 = %while3A_95 to %while3A_91 step %while3A_98 iter_args(%while3A_164 = %while3A_97) -> (i32)  : i32 {
        %mul3A_165 = arith.constant 16 : i32
        %mul3A_166 = arith.muli %while3A_163, %mul3A_165 : i32
        %get3A_167 = arith.index_cast %mul3A_166 : i32 to index
        %get3A_168 = tpu.vector_load %arg5[%get3A_167] {strides = array<i32>} : memref<5024xi32, #tpu.memory_space<vmem>>, vector<16xi32>,
        %add3A_169 = vector.broadcast %mul3A_166 : i32 to vector<16xi32>
        %add3A_170 = arith.addi %add3A_169, %iota3A : vector<16xi32>
        %lt3A = vector.broadcast %add3A_22 : i32 to vector<16xi32>
        %lt3A_171 = arith.cmpi slt, %add3A_170, %lt3A : vector<16xi32>
        %add3A_172 = arith.constant 25040 : i32
        %add3A_173 = vector.broadcast %add3A_172 : i32 to vector<16xi32>
        %add3A_174 = arith.addi %get3A_168, %add3A_173 : vector<16xi32>
        %gather3A = tpu.vector_load_idx %arg4[%add3A_174] masked %lt3A_171 : memref<30064xf32, #tpu.memory_space<vmem>>[vector<16xi32>], vector<16xf32>, vector<16xi1>
        %eq3A_175 = vector.broadcast %convert_element_type3A_88 : f32 to vector<16xf32>
        %eq3A_176 = arith.cmpf oeq, %gather3A, %eq3A_175 : vector<16xf32>
        %and3A_177 = arith.andi %lt3A_171, %eq3A_176 : vector<16xi1>
        %swap3A_178 = arith.index_cast %while3A_164 : i32 to index
        %swap3A_179 = tpu.vector_load %arg7[%swap3A_178] masked %and3A_177 {strides = array<i32>} : memref<5024xi32, #tpu.memory_space<vmem>>, vector<16xi32>, vector<16xi1>
        tpu.vector_store %arg7[%swap3A_178], %get3A_168 masked %and3A_177 {strides = array<i32>} : memref<5024xi32, #tpu.memory_space<vmem>>, vector<16xi32>, vector<16xi1>
        %all_reduce_population_count3A_180 = tpu.all_reduce %and3A_177 {dim = 0 : i64, kind = #tpu.reduction_kind<sum>} : vector<16xi1> -> vector<16xi32>
        %slice3A_181 = vector.extract_strided_slice %all_reduce_population_count3A_180 {offsets = [0], sizes = [1], strides = [1]} : vector<16xi32> to vector<1xi32>
        %squeeze3A_182 = vector.extract %slice3A_181[0] : i32 from vector<1xi32>
        %add3A_183 = arith.addi %while3A_164, %squeeze3A_182 : i32
        scf.yield %add3A_183 : i32
      }
      %add3A_100 = arith.constant 15 : i32
      %add3A_101 = arith.addi %while3A_99, %add3A_100 : i32
      %jit3A_102 = arith.constant 16 : i32
      %div3A_103 = arith.divsi %add3A_101, %jit3A_102 : i32
      %sign3A_104 = arith.constant 0 : i32
      %sign3A_105 = arith.cmpi sgt, %add3A_101, %sign3A_104 : i32
      %sign3A_106 = arith.extui %sign3A_105 : i1 to i32
      %sign3A_107 = arith.constant 0 : i32
      %sign3A_108 = arith.cmpi slt, %add3A_101, %sign3A_107 : i32
      %sign3A_109 = arith.extui %sign3A_108 : i1 to i32
      %sign3A_110 = arith.subi %sign3A_106, %sign3A_109 : i32
      %sign3A_111 = arith.constant 0 : i32
      %sign3A_112 = arith.cmpi sgt, %jit3A_102, %sign3A_111 : i32
      %sign3A_113 = arith.extui %sign3A_112 : i1 to i32
      %sign3A_114 = arith.constant 0 : i32
      %sign3A_115 = arith.cmpi slt, %jit3A_102, %sign3A_114 : i32
      %sign3A_116 = arith.extui %sign3A_115 : i1 to i32
      %sign3A_117 = arith.subi %sign3A_113, %sign3A_116 : i32
      %ne3A_118 = arith.cmpi ne, %sign3A_110, %sign3A_117 : i32
      %rem3A_119 = arith.remsi %add3A_101, %jit3A_102 : i32
      %ne3A_120 = arith.constant 0 : i32
      %ne3A_121 = arith.cmpi ne, %rem3A_119, %ne3A_120 : i32
      %and3A_122 = arith.andi %ne3A_118, %ne3A_121 : i1
      %sub3A_123 = arith.constant 1 : i32
      %sub3A_124 = arith.subi %div3A_103, %sub3A_123 : i32
      %select_n3A_125 = arith.select %and3A_122, %sub3A_124, %div3A_103 : i32
      %add3A_126 = arith.constant 1.000000e+00 : f32
      %add3A_127 = arith.addf %reduce_max3A_30, %add3A_126 : f32
      %mul3A_128 = arith.mulf %convert_element_type3A_88, %add3A_127 : f32
      %broadcast_in_dim3A_129 = arith.constant -1.000000e+30 : f32
      %broadcast_in_dim3A_130 = vector.broadcast %broadcast_in_dim3A_129 : f32 to vector<16xf32>
      %broadcast_in_dim3A_131 = arith.constant 1073741824 : i32
      %broadcast_in_dim3A_132 = vector.broadcast %broadcast_in_dim3A_131 : i32 to vector<16xi32>
      %while3A_133 = arith.constant 0 : i32
      %while3A_134 = arith.subi %select_n3A_125, %while3A_133 : i32
      %while3A_135 = arith.addi %while3A_133, %while3A_134 : i32
      %while3A_136 = arith.constant 1 : i32
      %while3A_137 = arith.divsi %while3A_134, %while3A_136 : i32
      %while3A_138 = arith.muli %while3A_137, %while3A_136 : i32
      %while3A_139 = arith.addi %while3A_133, %while3A_138 : i32
      %while3A_140 = arith.constant 1 : i32
      %while3A_141:2 = scf.for %while3A_163 = %while3A_133 to %while3A_139 step %while3A_140 iter_args(%while3A_164 = %broadcast_in_dim3A_130, %while3A_165 = %broadcast_in_dim3A_132) -> (vector<16xf32>, vector<16xi32>)  : i32 {
        %mul3A_166 = arith.constant 16 : i32
        %mul3A_167 = arith.muli %while3A_163, %mul3A_166 : i32
        %get3A_168 = arith.index_cast %mul3A_167 : i32 to index
        %get3A_169 = tpu.vector_load %arg7[%get3A_168] {strides = array<i32>} : memref<5024xi32, #tpu.memory_space<vmem>>, vector<16xi32>,
        %add3A_170 = vector.broadcast %mul3A_167 : i32 to vector<16xi32>
        %add3A_171 = arith.addi %add3A_170, %iota3A : vector<16xi32>
        %lt3A = vector.broadcast %while3A_99 : i32 to vector<16xi32>
        %lt3A_172 = arith.cmpi slt, %add3A_171, %lt3A : vector<16xi32>
        %add3A_173 = arith.constant 20032 : i32
        %add3A_174 = vector.broadcast %add3A_173 : i32 to vector<16xi32>
        %add3A_175 = arith.addi %get3A_169, %add3A_174 : vector<16xi32>
        %gather3A = tpu.vector_load_idx %arg4[%add3A_175] masked %lt3A_172 : memref<30064xf32, #tpu.memory_space<vmem>>[vector<16xi32>], vector<16xf32>, vector<16xi1>
        %swap3A_176 = arith.index_cast %mul3A_167 : i32 to index
        %swap3A_177 = tpu.vector_load %arg6[%swap3A_176] {strides = array<i32>} : memref<5024xf32, #tpu.memory_space<vmem>>, vector<16xf32>,
        tpu.vector_store %arg6[%swap3A_176], %gather3A {strides = array<i32>} : memref<5024xf32, #tpu.memory_space<vmem>>, vector<16xf32>,
        %gather3A_178 = tpu.vector_load_idx %arg4[%get3A_169] masked %lt3A_172 : memref<30064xf32, #tpu.memory_space<vmem>>[vector<16xi32>], vector<16xf32>, vector<16xi1>
        %add3A_179 = vector.broadcast %mul3A_128 : f32 to vector<16xf32>
        %add3A_180 = arith.addf %gather3A_178, %add3A_179 : vector<16xf32>
        %swap3A_181 = arith.index_cast %mul3A_167 : i32 to index
        %swap3A_182 = tpu.vector_load %arg8[%swap3A_181] {strides = array<i32>} : memref<5024xf32, #tpu.memory_space<vmem>>, vector<16xf32>,
        tpu.vector_store %arg8[%swap3A_181], %add3A_180 {strides = array<i32>} : memref<5024xf32, #tpu.memory_space<vmem>>, vector<16xf32>,
        %add3A_183 = arith.constant 5008 : i32
        %add3A_184 = vector.broadcast %add3A_183 : i32 to vector<16xi32>
        %add3A_185 = arith.addi %get3A_169, %add3A_184 : vector<16xi32>
        %gather3A_186 = tpu.vector_load_idx %arg4[%add3A_185] masked %lt3A_172 : memref<30064xf32, #tpu.memory_space<vmem>>[vector<16xi32>], vector<16xf32>, vector<16xi1>
        %add3A_187 = vector.broadcast %mul3A_128 : f32 to vector<16xf32>
        %add3A_188 = arith.addf %gather3A_186, %add3A_187 : vector<16xf32>
        %swap3A_189 = arith.index_cast %mul3A_167 : i32 to index
        %swap3A_190 = tpu.vector_load %arg9[%swap3A_189] {strides = array<i32>} : memref<5024xf32, #tpu.memory_space<vmem>>, vector<16xf32>,
        tpu.vector_store %arg9[%swap3A_189], %add3A_188 {strides = array<i32>} : memref<5024xf32, #tpu.memory_space<vmem>>, vector<16xf32>,
        %add3A_191 = arith.constant 10016 : i32
        %add3A_192 = vector.broadcast %add3A_191 : i32 to vector<16xi32>
        %add3A_193 = arith.addi %get3A_169, %add3A_192 : vector<16xi32>
        %gather3A_194 = tpu.vector_load_idx %arg4[%add3A_193] masked %lt3A_172 : memref<30064xf32, #tpu.memory_space<vmem>>[vector<16xi32>], vector<16xf32>, vector<16xi1>
        %add3A_195 = vector.broadcast %mul3A_128 : f32 to vector<16xf32>
        %add3A_196 = arith.addf %gather3A_194, %add3A_195 : vector<16xf32>
        %swap3A_197 = arith.index_cast %mul3A_167 : i32 to index
        %swap3A_198 = tpu.vector_load %arg10[%swap3A_197] {strides = array<i32>} : memref<5024xf32, #tpu.memory_space<vmem>>, vector<16xf32>,
        tpu.vector_store %arg10[%swap3A_197], %add3A_196 {strides = array<i32>} : memref<5024xf32, #tpu.memory_space<vmem>>, vector<16xf32>,
        %add3A_199 = arith.constant 15024 : i32
        %add3A_200 = vector.broadcast %add3A_199 : i32 to vector<16xi32>
        %add3A_201 = arith.addi %get3A_169, %add3A_200 : vector<16xi32>
        %gather3A_202 = tpu.vector_load_idx %arg4[%add3A_201] masked %lt3A_172 : memref<30064xf32, #tpu.memory_space<vmem>>[vector<16xi32>], vector<16xf32>, vector<16xi1>
        %add3A_203 = vector.broadcast %mul3A_128 : f32 to vector<16xf32>
        %add3A_204 = arith.addf %gather3A_202, %add3A_203 : vector<16xf32>
        %swap3A_205 = arith.index_cast %mul3A_167 : i32 to index
        %swap3A_206 = tpu.vector_load %arg11[%swap3A_205] {strides = array<i32>} : memref<5024xf32, #tpu.memory_space<vmem>>, vector<16xf32>,
        tpu.vector_store %arg11[%swap3A_205], %add3A_204 {strides = array<i32>} : memref<5024xf32, #tpu.memory_space<vmem>>, vector<16xf32>,
        %jit3A_207 = arith.constant -1.000000e+30 : f32
        %broadcast_in_dim3A_208 = vector.broadcast %jit3A_207 : f32 to vector<16xf32>
        %select_n3A_209 = arith.select %lt3A_172, %gather3A, %broadcast_in_dim3A_208 : vector<16xi1>, vector<16xf32>
        %gt3A = arith.cmpf ogt, %select_n3A_209, %while3A_164 : vector<16xf32>
        %select_n3A_210 = arith.select %gt3A, %select_n3A_209, %while3A_164 : vector<16xi1>, vector<16xf32>
        %add3A_211 = vector.broadcast %mul3A_167 : i32 to vector<16xi32>
        %add3A_212 = arith.addi %add3A_211, %iota3A : vector<16xi32>
        %select_n3A_213 = arith.select %gt3A, %add3A_212, %while3A_165 : vector<16xi1>, vector<16xi32>
        scf.yield %select_n3A_210, %select_n3A_213 : vector<16xf32>, vector<16xi32>
      }
      %while3A_142 = arith.constant 1 : i32
      %while3A_143:2 = scf.for %while3A_163 = %while3A_139 to %while3A_135 step %while3A_142 iter_args(%while3A_164 = %while3A_141#0, %while3A_165 = %while3A_141#1) -> (vector<16xf32>, vector<16xi32>)  : i32 {
        %mul3A_166 = arith.constant 16 : i32
        %mul3A_167 = arith.muli %while3A_163, %mul3A_166 : i32
        %get3A_168 = arith.index_cast %mul3A_167 : i32 to index
        %get3A_169 = tpu.vector_load %arg7[%get3A_168] {strides = array<i32>} : memref<5024xi32, #tpu.memory_space<vmem>>, vector<16xi32>,
        %add3A_170 = vector.broadcast %mul3A_167 : i32 to vector<16xi32>
        %add3A_171 = arith.addi %add3A_170, %iota3A : vector<16xi32>
        %lt3A = vector.broadcast %while3A_99 : i32 to vector<16xi32>
        %lt3A_172 = arith.cmpi slt, %add3A_171, %lt3A : vector<16xi32>
        %add3A_173 = arith.constant 20032 : i32
        %add3A_174 = vector.broadcast %add3A_173 : i32 to vector<16xi32>
        %add3A_175 = arith.addi %get3A_169, %add3A_174 : vector<16xi32>
        %gather3A = tpu.vector_load_idx %arg4[%add3A_175] masked %lt3A_172 : memref<30064xf32, #tpu.memory_space<vmem>>[vector<16xi32>], vector<16xf32>, vector<16xi1>
        %swap3A_176 = arith.index_cast %mul3A_167 : i32 to index
        %swap3A_177 = tpu.vector_load %arg6[%swap3A_176] {strides = array<i32>} : memref<5024xf32, #tpu.memory_space<vmem>>, vector<16xf32>,
        tpu.vector_store %arg6[%swap3A_176], %gather3A {strides = array<i32>} : memref<5024xf32, #tpu.memory_space<vmem>>, vector<16xf32>,
        %gather3A_178 = tpu.vector_load_idx %arg4[%get3A_169] masked %lt3A_172 : memref<30064xf32, #tpu.memory_space<vmem>>[vector<16xi32>], vector<16xf32>, vector<16xi1>
        %add3A_179 = vector.broadcast %mul3A_128 : f32 to vector<16xf32>
        %add3A_180 = arith.addf %gather3A_178, %add3A_179 : vector<16xf32>
        %swap3A_181 = arith.index_cast %mul3A_167 : i32 to index
        %swap3A_182 = tpu.vector_load %arg8[%swap3A_181] {strides = array<i32>} : memref<5024xf32, #tpu.memory_space<vmem>>, vector<16xf32>,
        tpu.vector_store %arg8[%swap3A_181], %add3A_180 {strides = array<i32>} : memref<5024xf32, #tpu.memory_space<vmem>>, vector<16xf32>,
        %add3A_183 = arith.constant 5008 : i32
        %add3A_184 = vector.broadcast %add3A_183 : i32 to vector<16xi32>
        %add3A_185 = arith.addi %get3A_169, %add3A_184 : vector<16xi32>
        %gather3A_186 = tpu.vector_load_idx %arg4[%add3A_185] masked %lt3A_172 : memref<30064xf32, #tpu.memory_space<vmem>>[vector<16xi32>], vector<16xf32>, vector<16xi1>
        %add3A_187 = vector.broadcast %mul3A_128 : f32 to vector<16xf32>
        %add3A_188 = arith.addf %gather3A_186, %add3A_187 : vector<16xf32>
        %swap3A_189 = arith.index_cast %mul3A_167 : i32 to index
        %swap3A_190 = tpu.vector_load %arg9[%swap3A_189] {strides = array<i32>} : memref<5024xf32, #tpu.memory_space<vmem>>, vector<16xf32>,
        tpu.vector_store %arg9[%swap3A_189], %add3A_188 {strides = array<i32>} : memref<5024xf32, #tpu.memory_space<vmem>>, vector<16xf32>,
        %add3A_191 = arith.constant 10016 : i32
        %add3A_192 = vector.broadcast %add3A_191 : i32 to vector<16xi32>
        %add3A_193 = arith.addi %get3A_169, %add3A_192 : vector<16xi32>
        %gather3A_194 = tpu.vector_load_idx %arg4[%add3A_193] masked %lt3A_172 : memref<30064xf32, #tpu.memory_space<vmem>>[vector<16xi32>], vector<16xf32>, vector<16xi1>
        %add3A_195 = vector.broadcast %mul3A_128 : f32 to vector<16xf32>
        %add3A_196 = arith.addf %gather3A_194, %add3A_195 : vector<16xf32>
        %swap3A_197 = arith.index_cast %mul3A_167 : i32 to index
        %swap3A_198 = tpu.vector_load %arg10[%swap3A_197] {strides = array<i32>} : memref<5024xf32, #tpu.memory_space<vmem>>, vector<16xf32>,
        tpu.vector_store %arg10[%swap3A_197], %add3A_196 {strides = array<i32>} : memref<5024xf32, #tpu.memory_space<vmem>>, vector<16xf32>,
        %add3A_199 = arith.constant 15024 : i32
        %add3A_200 = vector.broadcast %add3A_199 : i32 to vector<16xi32>
        %add3A_201 = arith.addi %get3A_169, %add3A_200 : vector<16xi32>
        %gather3A_202 = tpu.vector_load_idx %arg4[%add3A_201] masked %lt3A_172 : memref<30064xf32, #tpu.memory_space<vmem>>[vector<16xi32>], vector<16xf32>, vector<16xi1>
        %add3A_203 = vector.broadcast %mul3A_128 : f32 to vector<16xf32>
        %add3A_204 = arith.addf %gather3A_202, %add3A_203 : vector<16xf32>
        %swap3A_205 = arith.index_cast %mul3A_167 : i32 to index
        %swap3A_206 = tpu.vector_load %arg11[%swap3A_205] {strides = array<i32>} : memref<5024xf32, #tpu.memory_space<vmem>>, vector<16xf32>,
        tpu.vector_store %arg11[%swap3A_205], %add3A_204 {strides = array<i32>} : memref<5024xf32, #tpu.memory_space<vmem>>, vector<16xf32>,
        %jit3A_207 = arith.constant -1.000000e+30 : f32
        %broadcast_in_dim3A_208 = vector.broadcast %jit3A_207 : f32 to vector<16xf32>
        %select_n3A_209 = arith.select %lt3A_172, %gather3A, %broadcast_in_dim3A_208 : vector<16xi1>, vector<16xf32>
        %gt3A = arith.cmpf ogt, %select_n3A_209, %while3A_164 : vector<16xf32>
        %select_n3A_210 = arith.select %gt3A, %select_n3A_209, %while3A_164 : vector<16xi1>, vector<16xf32>
        %add3A_211 = vector.broadcast %mul3A_167 : i32 to vector<16xi32>
        %add3A_212 = arith.addi %add3A_211, %iota3A : vector<16xi32>
        %select_n3A_213 = arith.select %gt3A, %add3A_212, %while3A_165 : vector<16xi1>, vector<16xi32>
        scf.yield %select_n3A_210, %select_n3A_213 : vector<16xf32>, vector<16xi32>
      }
      %broadcast_in_dim3A_144 = arith.constant -1.000000e+30 : f32
      %broadcast_in_dim3A_145 = vector.broadcast %broadcast_in_dim3A_144 : f32 to vector<16xf32>
      %broadcast_in_dim3A_146 = arith.constant 0 : i32
      %broadcast_in_dim3A_147 = vector.broadcast %broadcast_in_dim3A_146 : i32 to vector<16xi32>
      %scan3A_148 = arith.constant 0 : i32
      %scan3A_149 = arith.constant 15 : i32
      %scan3A_150 = arith.addi %scan3A_148, %scan3A_149 : i32
      %scan3A_151 = arith.constant 1 : i32
      %scan3A_152:4 = scf.for %scan3A_163 = %scan3A_148 to %scan3A_150 step %scan3A_151 iter_args(%scan3A_164 = %broadcast_in_dim3A_145, %scan3A_165 = %broadcast_in_dim3A_147, %scan3A_166 = %while3A_143#0, %scan3A_167 = %while3A_143#1) -> (vector<16xf32>, vector<16xi32>, vector<16xf32>, vector<16xi32>)  : i32 {
        %reduce_max3A_168 = arith.constant true
        %reduce_max3A_169 = vector.broadcast %reduce_max3A_168 : i1 to vector<16xi1>
        %reduce_max3A_170 = tpu.scan <max>, %scan3A_166 masked %reduce_max3A_169 : vector<16xf32>, vector<16xi1> -> vector<16xf32>
        %reduce_max3A_171 = vector.extract %reduce_max3A_170[15] : f32 from vector<16xf32>
        %ge3A_172 = arith.constant 0.000000e+00 : f32
        %ge3A_173 = arith.cmpf oge, %reduce_max3A_171, %ge3A_172 : f32
        %eq3A_174 = vector.broadcast %reduce_max3A_171 : f32 to vector<16xf32>
        %eq3A_175 = arith.cmpf oeq, %scan3A_166, %eq3A_174 : vector<16xf32>
        %jit3A_176 = arith.constant 1073741824 : i32
        %broadcast_in_dim3A_177 = vector.broadcast %jit3A_176 : i32 to vector<16xi32>
        %select_n3A_178 = arith.select %eq3A_175, %scan3A_167, %broadcast_in_dim3A_177 : vector<16xi1>, vector<16xi32>
        %reduce_min3A = arith.constant true
        %reduce_min3A_179 = vector.broadcast %reduce_min3A : i1 to vector<16xi1>
        %reduce_min3A_180 = arith.constant -2147483648 : i32
        %reduce_min3A_181 = vector.broadcast %reduce_min3A_180 : i32 to vector<16xi32>
        %reduce_min3A_182 = arith.xori %select_n3A_178, %reduce_min3A_181 : vector<16xi32>
        %reduce_min3A_183 = tpu.scan <min>, %reduce_min3A_182 masked %reduce_min3A_179 : vector<16xi32>, vector<16xi1> -> vector<16xi32>
        %reduce_min3A_184 = arith.xori %reduce_min3A_183, %reduce_min3A_181 : vector<16xi32>
        %reduce_min3A_185 = vector.extract %reduce_min3A_184[15] : i32 from vector<16xi32>
        %jit3A_186 = arith.constant 0 : i32
        %select_n3A_187 = arith.select %ge3A_173, %reduce_min3A_185, %jit3A_186 : i32
        %get3A_188 = arith.index_cast %select_n3A_187 : i32 to index
        %get3A_189 = tpu.vector_load %arg6[%get3A_188] {strides = array<i32>} : memref<5024xf32, #tpu.memory_space<vmem>>, vector<16xf32>,
        %slice3A_190 = vector.extract_strided_slice %get3A_189 {offsets = [0], sizes = [1], strides = [1]} : vector<16xf32> to vector<1xf32>
        %squeeze3A_191 = vector.extract %slice3A_190[0] : f32 from vector<1xf32>
        %get3A_192 = arith.index_cast %select_n3A_187 : i32 to index
        %get3A_193 = tpu.vector_load %arg7[%get3A_192] {strides = array<i32>} : memref<5024xi32, #tpu.memory_space<vmem>>, vector<16xi32>,
        %slice3A_194 = vector.extract_strided_slice %get3A_193 {offsets = [0], sizes = [1], strides = [1]} : vector<16xi32> to vector<1xi32>
        %squeeze3A_195 = vector.extract %slice3A_194[0] : i32 from vector<1xi32>
        %eq3A_196 = vector.broadcast %scan3A_163 : i32 to vector<16xi32>
        %eq3A_197 = arith.cmpi eq, %iota3A, %eq3A_196 : vector<16xi32>
        %and3A_198 = vector.broadcast %ge3A_173 : i1 to vector<16xi1>
        %and3A_199 = arith.andi %and3A_198, %eq3A_197 : vector<16xi1>
        %broadcast_in_dim3A_200 = vector.broadcast %squeeze3A_191 : f32 to vector<16xf32>
        %select_n3A_201 = arith.select %and3A_199, %broadcast_in_dim3A_200, %scan3A_164 : vector<16xi1>, vector<16xf32>
        %broadcast_in_dim3A_202 = vector.broadcast %squeeze3A_195 : i32 to vector<16xi32>
        %select_n3A_203 = arith.select %and3A_199, %broadcast_in_dim3A_202, %scan3A_165 : vector<16xi1>, vector<16xi32>
        %convert_element_type3A_204 = arith.extui %ge3A_173 : i1 to i32
        %cond3A_205 = arith.constant 0 : i32
        %cond3A_206 = arith.cmpi ne, %convert_element_type3A_204, %cond3A_205 : i32
        %cond3A_207:2 = scf.if %cond3A_206 -> (vector<16xf32>, vector<16xi32>) {
          %get3A_208 = arith.index_cast %select_n3A_187 : i32 to index
          %get3A_209 = tpu.vector_load %arg8[%get3A_208] {strides = array<i32>} : memref<5024xf32, #tpu.memory_space<vmem>>, vector<16xf32>,
          %slice3A_210 = vector.extract_strided_slice %get3A_209 {offsets = [0], sizes = [1], strides = [1]} : vector<16xf32> to vector<1xf32>
          %squeeze3A_211 = vector.extract %slice3A_210[0] : f32 from vector<1xf32>
          %get3A_212 = arith.index_cast %select_n3A_187 : i32 to index
          %get3A_213 = tpu.vector_load %arg9[%get3A_212] {strides = array<i32>} : memref<5024xf32, #tpu.memory_space<vmem>>, vector<16xf32>,
          %slice3A_214 = vector.extract_strided_slice %get3A_213 {offsets = [0], sizes = [1], strides = [1]} : vector<16xf32> to vector<1xf32>
          %squeeze3A_215 = vector.extract %slice3A_214[0] : f32 from vector<1xf32>
          %get3A_216 = arith.index_cast %select_n3A_187 : i32 to index
          %get3A_217 = tpu.vector_load %arg10[%get3A_216] {strides = array<i32>} : memref<5024xf32, #tpu.memory_space<vmem>>, vector<16xf32>,
          %slice3A_218 = vector.extract_strided_slice %get3A_217 {offsets = [0], sizes = [1], strides = [1]} : vector<16xf32> to vector<1xf32>
          %squeeze3A_219 = vector.extract %slice3A_218[0] : f32 from vector<1xf32>
          %get3A_220 = arith.index_cast %select_n3A_187 : i32 to index
          %get3A_221 = tpu.vector_load %arg11[%get3A_220] {strides = array<i32>} : memref<5024xf32, #tpu.memory_space<vmem>>, vector<16xf32>,
          %slice3A_222 = vector.extract_strided_slice %get3A_221 {offsets = [0], sizes = [1], strides = [1]} : vector<16xf32> to vector<1xf32>
          %squeeze3A_223 = vector.extract %slice3A_222[0] : f32 from vector<1xf32>
          %sub3A_224 = arith.subf %squeeze3A_219, %squeeze3A_211 : f32
          %sub3A_225 = arith.subf %squeeze3A_223, %squeeze3A_215 : f32
          %mul3A_226 = arith.mulf %sub3A_224, %sub3A_225 : f32
          %broadcast_in_dim3A_227 = arith.constant -1.000000e+30 : f32
          %broadcast_in_dim3A_228 = vector.broadcast %broadcast_in_dim3A_227 : f32 to vector<16xf32>
          %broadcast_in_dim3A_229 = arith.constant 1073741824 : i32
          %broadcast_in_dim3A_230 = vector.broadcast %broadcast_in_dim3A_229 : i32 to vector<16xi32>
          %while3A_231 = arith.constant 0 : i32
          %while3A_232 = arith.subi %select_n3A_125, %while3A_231 : i32
          %while3A_233 = arith.addi %while3A_231, %while3A_232 : i32
          %while3A_234 = arith.constant 1 : i32
          %while3A_235 = arith.divsi %while3A_232, %while3A_234 : i32
          %while3A_236 = arith.muli %while3A_235, %while3A_234 : i32
          %while3A_237 = arith.addi %while3A_231, %while3A_236 : i32
          %while3A_238 = arith.constant 1 : i32
          %while3A_239:2 = scf.for %while3A_242 = %while3A_231 to %while3A_237 step %while3A_238 iter_args(%while3A_243 = %broadcast_in_dim3A_228, %while3A_244 = %broadcast_in_dim3A_230) -> (vector<16xf32>, vector<16xi32>)  : i32 {
            %mul3A_245 = arith.constant 16 : i32
            %mul3A_246 = arith.muli %while3A_242, %mul3A_245 : i32
            %get3A_247 = arith.index_cast %mul3A_246 : i32 to index
            %get3A_248 = tpu.vector_load %arg8[%get3A_247] {strides = array<i32>} : memref<5024xf32, #tpu.memory_space<vmem>>, vector<16xf32>,
            %get3A_249 = arith.index_cast %mul3A_246 : i32 to index
            %get3A_250 = tpu.vector_load %arg9[%get3A_249] {strides = array<i32>} : memref<5024xf32, #tpu.memory_space<vmem>>, vector<16xf32>,
            %get3A_251 = arith.index_cast %mul3A_246 : i32 to index
            %get3A_252 = tpu.vector_load %arg10[%get3A_251] {strides = array<i32>} : memref<5024xf32, #tpu.memory_space<vmem>>, vector<16xf32>,
            %get3A_253 = arith.index_cast %mul3A_246 : i32 to index
            %get3A_254 = tpu.vector_load %arg11[%get3A_253] {strides = array<i32>} : memref<5024xf32, #tpu.memory_space<vmem>>, vector<16xf32>,
            %get3A_255 = arith.index_cast %mul3A_246 : i32 to index
            %get3A_256 = tpu.vector_load %arg6[%get3A_255] {strides = array<i32>} : memref<5024xf32, #tpu.memory_space<vmem>>, vector<16xf32>,
            %min3A = vector.broadcast %squeeze3A_219 : f32 to vector<16xf32>
            %min3A_257 = arith.minimumf %min3A, %get3A_252 : vector<16xf32>
            %max3A_258 = vector.broadcast %squeeze3A_211 : f32 to vector<16xf32>
            %max3A_259 = arith.maximumf %max3A_258, %get3A_248 : vector<16xf32>
            %sub3A_260 = arith.subf %min3A_257, %max3A_259 : vector<16xf32>
            %max3A_261 = arith.constant 0.000000e+00 : f32
            %max3A_262 = vector.broadcast %max3A_261 : f32 to vector<16xf32>
            %max3A_263 = arith.maximumf %sub3A_260, %max3A_262 : vector<16xf32>
            %min3A_264 = vector.broadcast %squeeze3A_223 : f32 to vector<16xf32>
            %min3A_265 = arith.minimumf %min3A_264, %get3A_254 : vector<16xf32>
            %max3A_266 = vector.broadcast %squeeze3A_215 : f32 to vector<16xf32>
            %max3A_267 = arith.maximumf %max3A_266, %get3A_250 : vector<16xf32>
            %sub3A_268 = arith.subf %min3A_265, %max3A_267 : vector<16xf32>
            %max3A_269 = arith.constant 0.000000e+00 : f32
            %max3A_270 = vector.broadcast %max3A_269 : f32 to vector<16xf32>
            %max3A_271 = arith.maximumf %sub3A_268, %max3A_270 : vector<16xf32>
            %mul3A_272 = arith.mulf %max3A_263, %max3A_271 : vector<16xf32>
            %sub3A_273 = arith.subf %get3A_252, %get3A_248 : vector<16xf32>
            %sub3A_274 = arith.subf %get3A_254, %get3A_250 : vector<16xf32>
            %mul3A_275 = arith.mulf %sub3A_273, %sub3A_274 : vector<16xf32>
            %add3A_276 = vector.broadcast %mul3A_226 : f32 to vector<16xf32>
            %add3A_277 = arith.addf %add3A_276, %mul3A_275 : vector<16xf32>
            %sub3A_278 = arith.subf %add3A_277, %mul3A_272 : vector<16xf32>
            %max3A_279 = arith.constant 9.99999971E-10 : f32
            %max3A_280 = vector.broadcast %max3A_279 : f32 to vector<16xf32>
            %max3A_281 = arith.maximumf %sub3A_278, %max3A_280 : vector<16xf32>
            %div3A_282 = arith.divf %mul3A_272, %max3A_281 : vector<16xf32>
            %gt3A = arith.constant 5.000000e-01 : f32
            %gt3A_283 = vector.broadcast %gt3A : f32 to vector<16xf32>
            %gt3A_284 = arith.cmpf ogt, %div3A_282, %gt3A_283 : vector<16xf32>
            %jit3A_285 = arith.constant -1.000000e+30 : f32
            %broadcast_in_dim3A_286 = vector.broadcast %jit3A_285 : f32 to vector<16xf32>
            %select_n3A_287 = arith.select %gt3A_284, %broadcast_in_dim3A_286, %get3A_256 : vector<16xi1>, vector<16xf32>
            %swap3A_288 = arith.index_cast %mul3A_246 : i32 to index
            %swap3A_289 = tpu.vector_load %arg6[%swap3A_288] {strides = array<i32>} : memref<5024xf32, #tpu.memory_space<vmem>>, vector<16xf32>,
            tpu.vector_store %arg6[%swap3A_288], %select_n3A_287 {strides = array<i32>} : memref<5024xf32, #tpu.memory_space<vmem>>, vector<16xf32>,
            %add3A_290 = vector.broadcast %mul3A_246 : i32 to vector<16xi32>
            %add3A_291 = arith.addi %add3A_290, %iota3A : vector<16xi32>
            %lt3A = vector.broadcast %while3A_99 : i32 to vector<16xi32>
            %lt3A_292 = arith.cmpi slt, %add3A_291, %lt3A : vector<16xi32>
            %jit3A_293 = arith.constant -1.000000e+30 : f32
            %broadcast_in_dim3A_294 = vector.broadcast %jit3A_293 : f32 to vector<16xf32>
            %select_n3A_295 = arith.select %lt3A_292, %select_n3A_287, %broadcast_in_dim3A_294 : vector<16xi1>, vector<16xf32>
            %gt3A_296 = arith.cmpf ogt, %select_n3A_295, %while3A_243 : vector<16xf32>
            %select_n3A_297 = arith.select %gt3A_296, %select_n3A_295, %while3A_243 : vector<16xi1>, vector<16xf32>
            %add3A_298 = vector.broadcast %mul3A_246 : i32 to vector<16xi32>
            %add3A_299 = arith.addi %add3A_298, %iota3A : vector<16xi32>
            %select_n3A_300 = arith.select %gt3A_296, %add3A_299, %while3A_244 : vector<16xi1>, vector<16xi32>
            scf.yield %select_n3A_297, %select_n3A_300 : vector<16xf32>, vector<16xi32>
          }
          %while3A_240 = arith.constant 1 : i32
          %while3A_241:2 = scf.for %while3A_242 = %while3A_237 to %while3A_233 step %while3A_240 iter_args(%while3A_243 = %while3A_239#0, %while3A_244 = %while3A_239#1) -> (vector<16xf32>, vector<16xi32>)  : i32 {
            %mul3A_245 = arith.constant 16 : i32
            %mul3A_246 = arith.muli %while3A_242, %mul3A_245 : i32
            %get3A_247 = arith.index_cast %mul3A_246 : i32 to index
            %get3A_248 = tpu.vector_load %arg8[%get3A_247] {strides = array<i32>} : memref<5024xf32, #tpu.memory_space<vmem>>, vector<16xf32>,
            %get3A_249 = arith.index_cast %mul3A_246 : i32 to index
            %get3A_250 = tpu.vector_load %arg9[%get3A_249] {strides = array<i32>} : memref<5024xf32, #tpu.memory_space<vmem>>, vector<16xf32>,
            %get3A_251 = arith.index_cast %mul3A_246 : i32 to index
            %get3A_252 = tpu.vector_load %arg10[%get3A_251] {strides = array<i32>} : memref<5024xf32, #tpu.memory_space<vmem>>, vector<16xf32>,
            %get3A_253 = arith.index_cast %mul3A_246 : i32 to index
            %get3A_254 = tpu.vector_load %arg11[%get3A_253] {strides = array<i32>} : memref<5024xf32, #tpu.memory_space<vmem>>, vector<16xf32>,
            %get3A_255 = arith.index_cast %mul3A_246 : i32 to index
            %get3A_256 = tpu.vector_load %arg6[%get3A_255] {strides = array<i32>} : memref<5024xf32, #tpu.memory_space<vmem>>, vector<16xf32>,
            %min3A = vector.broadcast %squeeze3A_219 : f32 to vector<16xf32>
            %min3A_257 = arith.minimumf %min3A, %get3A_252 : vector<16xf32>
            %max3A_258 = vector.broadcast %squeeze3A_211 : f32 to vector<16xf32>
            %max3A_259 = arith.maximumf %max3A_258, %get3A_248 : vector<16xf32>
            %sub3A_260 = arith.subf %min3A_257, %max3A_259 : vector<16xf32>
            %max3A_261 = arith.constant 0.000000e+00 : f32
            %max3A_262 = vector.broadcast %max3A_261 : f32 to vector<16xf32>
            %max3A_263 = arith.maximumf %sub3A_260, %max3A_262 : vector<16xf32>
            %min3A_264 = vector.broadcast %squeeze3A_223 : f32 to vector<16xf32>
            %min3A_265 = arith.minimumf %min3A_264, %get3A_254 : vector<16xf32>
            %max3A_266 = vector.broadcast %squeeze3A_215 : f32 to vector<16xf32>
            %max3A_267 = arith.maximumf %max3A_266, %get3A_250 : vector<16xf32>
            %sub3A_268 = arith.subf %min3A_265, %max3A_267 : vector<16xf32>
            %max3A_269 = arith.constant 0.000000e+00 : f32
            %max3A_270 = vector.broadcast %max3A_269 : f32 to vector<16xf32>
            %max3A_271 = arith.maximumf %sub3A_268, %max3A_270 : vector<16xf32>
            %mul3A_272 = arith.mulf %max3A_263, %max3A_271 : vector<16xf32>
            %sub3A_273 = arith.subf %get3A_252, %get3A_248 : vector<16xf32>
            %sub3A_274 = arith.subf %get3A_254, %get3A_250 : vector<16xf32>
            %mul3A_275 = arith.mulf %sub3A_273, %sub3A_274 : vector<16xf32>
            %add3A_276 = vector.broadcast %mul3A_226 : f32 to vector<16xf32>
            %add3A_277 = arith.addf %add3A_276, %mul3A_275 : vector<16xf32>
            %sub3A_278 = arith.subf %add3A_277, %mul3A_272 : vector<16xf32>
            %max3A_279 = arith.constant 9.99999971E-10 : f32
            %max3A_280 = vector.broadcast %max3A_279 : f32 to vector<16xf32>
            %max3A_281 = arith.maximumf %sub3A_278, %max3A_280 : vector<16xf32>
            %div3A_282 = arith.divf %mul3A_272, %max3A_281 : vector<16xf32>
            %gt3A = arith.constant 5.000000e-01 : f32
            %gt3A_283 = vector.broadcast %gt3A : f32 to vector<16xf32>
            %gt3A_284 = arith.cmpf ogt, %div3A_282, %gt3A_283 : vector<16xf32>
            %jit3A_285 = arith.constant -1.000000e+30 : f32
            %broadcast_in_dim3A_286 = vector.broadcast %jit3A_285 : f32 to vector<16xf32>
            %select_n3A_287 = arith.select %gt3A_284, %broadcast_in_dim3A_286, %get3A_256 : vector<16xi1>, vector<16xf32>
            %swap3A_288 = arith.index_cast %mul3A_246 : i32 to index
            %swap3A_289 = tpu.vector_load %arg6[%swap3A_288] {strides = array<i32>} : memref<5024xf32, #tpu.memory_space<vmem>>, vector<16xf32>,
            tpu.vector_store %arg6[%swap3A_288], %select_n3A_287 {strides = array<i32>} : memref<5024xf32, #tpu.memory_space<vmem>>, vector<16xf32>,
            %add3A_290 = vector.broadcast %mul3A_246 : i32 to vector<16xi32>
            %add3A_291 = arith.addi %add3A_290, %iota3A : vector<16xi32>
            %lt3A = vector.broadcast %while3A_99 : i32 to vector<16xi32>
            %lt3A_292 = arith.cmpi slt, %add3A_291, %lt3A : vector<16xi32>
            %jit3A_293 = arith.constant -1.000000e+30 : f32
            %broadcast_in_dim3A_294 = vector.broadcast %jit3A_293 : f32 to vector<16xf32>
            %select_n3A_295 = arith.select %lt3A_292, %select_n3A_287, %broadcast_in_dim3A_294 : vector<16xi1>, vector<16xf32>
            %gt3A_296 = arith.cmpf ogt, %select_n3A_295, %while3A_243 : vector<16xf32>
            %select_n3A_297 = arith.select %gt3A_296, %select_n3A_295, %while3A_243 : vector<16xi1>, vector<16xf32>
            %add3A_298 = vector.broadcast %mul3A_246 : i32 to vector<16xi32>
            %add3A_299 = arith.addi %add3A_298, %iota3A : vector<16xi32>
            %select_n3A_300 = arith.select %gt3A_296, %add3A_299, %while3A_244 : vector<16xi1>, vector<16xi32>
            scf.yield %select_n3A_297, %select_n3A_300 : vector<16xf32>, vector<16xi32>
          }
          scf.yield %while3A_241#0, %while3A_241#1 : vector<16xf32>, vector<16xi32>
        } else {
          %broadcast_in_dim3A_208 = arith.constant -1.000000e+30 : f32
          %broadcast_in_dim3A_209 = vector.broadcast %broadcast_in_dim3A_208 : f32 to vector<16xf32>
          %broadcast_in_dim3A_210 = arith.constant 1073741824 : i32
          %broadcast_in_dim3A_211 = vector.broadcast %broadcast_in_dim3A_210 : i32 to vector<16xi32>
          scf.yield %broadcast_in_dim3A_209, %broadcast_in_dim3A_211 : vector<16xf32>, vector<16xi32>
        }
        scf.yield %select_n3A_201, %select_n3A_203, %cond3A_207#0, %cond3A_207#1 : vector<16xf32>, vector<16xi32>, vector<16xf32>, vector<16xi32>
      }
      %scan3A_153 = arith.constant 15 : i32
      %mul3A_154 = arith.constant 16 : i32
      %mul3A_155 = arith.muli %scan3A_83, %mul3A_154 : i32
      %swap3A_156 = arith.index_cast %mul3A_155 : i32 to index
      %swap3A_157 = tpu.vector_load %arg12[%swap3A_156] {strides = array<i32>} : memref<80xf32, #tpu.memory_space<vmem>>, vector<16xf32>,
      tpu.vector_store %arg12[%swap3A_156], %scan3A_152#0 {strides = array<i32>} : memref<80xf32, #tpu.memory_space<vmem>>, vector<16xf32>,
      %mul3A_158 = arith.constant 16 : i32
      %mul3A_159 = arith.muli %scan3A_83, %mul3A_158 : i32
      %swap3A_160 = arith.index_cast %mul3A_159 : i32 to index
      %swap3A_161 = tpu.vector_load %arg13[%swap3A_160] {strides = array<i32>} : memref<80xi32, #tpu.memory_space<vmem>>, vector<16xi32>,
      tpu.vector_store %arg13[%swap3A_160], %scan3A_152#1 {strides = array<i32>} : memref<80xi32, #tpu.memory_space<vmem>>, vector<16xi32>,
      %scan3A_162 = arith.constant 0 : i32
      scf.yield %scan3A_162 : i32
    }
    %scan3A_56 = arith.constant 5 : i32
    %broadcast_in_dim3A_57 = arith.constant -1.000000e+30 : f32
    "tpu.trace_stop"() : () -> ()
    "tpu.trace_start"() <{level = 10 : i32, message = "ph_lt"}> : () -> ()
    %broadcast_in_dim3A_58 = vector.broadcast %broadcast_in_dim3A_57 : f32 to vector<16xf32>
    %broadcast_in_dim3A_59 = arith.constant 0 : i32
    %broadcast_in_dim3A_60 = vector.broadcast %broadcast_in_dim3A_59 : i32 to vector<16xi32>
    %scan3A_61 = arith.constant 0 : i32
    %scan3A_62 = arith.constant 15 : i32
    %scan3A_63 = arith.addi %scan3A_61, %scan3A_62 : i32
    %scan3A_64 = arith.constant 1 : i32
    %scan3A_65:2 = scf.for %scan3A_83 = %scan3A_61 to %scan3A_63 step %scan3A_64 iter_args(%scan3A_84 = %broadcast_in_dim3A_58, %scan3A_85 = %broadcast_in_dim3A_60) -> (vector<16xf32>, vector<16xi32>)  : i32 {
      %broadcast_in_dim3A_86 = arith.constant -1.000000e+30 : f32
      %broadcast_in_dim3A_87 = vector.broadcast %broadcast_in_dim3A_86 : f32 to vector<16xf32>
      %broadcast_in_dim3A_88 = arith.constant 1073741824 : i32
      %broadcast_in_dim3A_89 = vector.broadcast %broadcast_in_dim3A_88 : i32 to vector<16xi32>
      %broadcast_in_dim3A_90 = arith.constant 1073741824 : i32
      %broadcast_in_dim3A_91 = vector.broadcast %broadcast_in_dim3A_90 : i32 to vector<16xi32>
      %scan3A_92 = arith.constant 0 : i32
      %scan3A_93 = arith.constant 5 : i32
      %scan3A_94 = arith.addi %scan3A_92, %scan3A_93 : i32
      %scan3A_95 = arith.constant 1 : i32
      %scan3A_96:3 = scf.for %scan3A_127 = %scan3A_92 to %scan3A_94 step %scan3A_95 iter_args(%scan3A_128 = %broadcast_in_dim3A_87, %scan3A_129 = %broadcast_in_dim3A_89, %scan3A_130 = %broadcast_in_dim3A_91) -> (vector<16xf32>, vector<16xi32>, vector<16xi32>)  : i32 {
        %mul3A_131 = arith.constant 16 : i32
        %mul3A_132 = arith.muli %scan3A_127, %mul3A_131 : i32
        %get3A_133 = arith.index_cast %mul3A_132 : i32 to index
        %get3A_134 = tpu.vector_load %arg12[%get3A_133] {strides = array<i32>} : memref<80xf32, #tpu.memory_space<vmem>>, vector<16xf32>,
        %get3A_135 = arith.index_cast %mul3A_132 : i32 to index
        %get3A_136 = tpu.vector_load %arg13[%get3A_135] {strides = array<i32>} : memref<80xi32, #tpu.memory_space<vmem>>, vector<16xi32>,
        %eq3A_137 = arith.constant 1 : i32
        %eq3A_138 = arith.cmpi eq, %arg1, %eq3A_137 : i32
        %eq3A_139 = arith.constant 0 : i32
        %eq3A_140 = arith.cmpi eq, %scan3A_127, %eq3A_139 : i32
        %and3A_141 = arith.andi %eq3A_138, %eq3A_140 : i1
        %jit3A_142 = arith.constant -1.000000e+30 : f32
        %broadcast_in_dim3A_143 = vector.broadcast %jit3A_142 : f32 to vector<16xf32>
        %select_n3A_144 = arith.select %and3A_141, %broadcast_in_dim3A_143, %get3A_134 : vector<16xf32>
        %gt3A = arith.cmpf ogt, %select_n3A_144, %scan3A_128 : vector<16xf32>
        %eq3A_145 = arith.cmpf oeq, %select_n3A_144, %scan3A_128 : vector<16xf32>
        %lt3A = arith.cmpi slt, %get3A_136, %scan3A_129 : vector<16xi32>
        %and3A_146 = arith.andi %eq3A_145, %lt3A : vector<16xi1>
        %or3A = arith.ori %gt3A, %and3A_146 : vector<16xi1>
        %select_n3A_147 = arith.select %or3A, %select_n3A_144, %scan3A_128 : vector<16xi1>, vector<16xf32>
        %select_n3A_148 = arith.select %or3A, %get3A_136, %scan3A_129 : vector<16xi1>, vector<16xi32>
        %add3A_149 = vector.broadcast %mul3A_132 : i32 to vector<16xi32>
        %add3A_150 = arith.addi %add3A_149, %iota3A : vector<16xi32>
        %select_n3A_151 = arith.select %or3A, %add3A_150, %scan3A_130 : vector<16xi1>, vector<16xi32>
        scf.yield %select_n3A_147, %select_n3A_148, %select_n3A_151 : vector<16xf32>, vector<16xi32>, vector<16xi32>
      }
      %scan3A_97 = arith.constant 5 : i32
      %reduce_max3A_98 = arith.constant true
      %reduce_max3A_99 = vector.broadcast %reduce_max3A_98 : i1 to vector<16xi1>
      %reduce_max3A_100 = tpu.scan <max>, %scan3A_96#0 masked %reduce_max3A_99 : vector<16xf32>, vector<16xi1> -> vector<16xf32>
      %reduce_max3A_101 = vector.extract %reduce_max3A_100[15] : f32 from vector<16xf32>
      %ge3A_102 = arith.constant 0.000000e+00 : f32
      %ge3A_103 = arith.cmpf oge, %reduce_max3A_101, %ge3A_102 : f32
      %eq3A_104 = vector.broadcast %reduce_max3A_101 : f32 to vector<16xf32>
      %eq3A_105 = arith.cmpf oeq, %scan3A_96#0, %eq3A_104 : vector<16xf32>
      %jit3A_106 = arith.constant 1073741824 : i32
      %broadcast_in_dim3A_107 = vector.broadcast %jit3A_106 : i32 to vector<16xi32>
      %select_n3A_108 = arith.select %eq3A_105, %scan3A_96#1, %broadcast_in_dim3A_107 : vector<16xi1>, vector<16xi32>
      %reduce_min3A = arith.constant true
      %reduce_min3A_109 = vector.broadcast %reduce_min3A : i1 to vector<16xi1>
      %reduce_min3A_110 = arith.constant -2147483648 : i32
      %reduce_min3A_111 = vector.broadcast %reduce_min3A_110 : i32 to vector<16xi32>
      %reduce_min3A_112 = arith.xori %select_n3A_108, %reduce_min3A_111 : vector<16xi32>
      %reduce_min3A_113 = tpu.scan <min>, %reduce_min3A_112 masked %reduce_min3A_109 : vector<16xi32>, vector<16xi1> -> vector<16xi32>
      %reduce_min3A_114 = arith.xori %reduce_min3A_113, %reduce_min3A_111 : vector<16xi32>
      %reduce_min3A_115 = vector.extract %reduce_min3A_114[15] : i32 from vector<16xi32>
      %eq3A_116 = vector.broadcast %scan3A_83 : i32 to vector<16xi32>
      %eq3A_117 = arith.cmpi eq, %iota3A, %eq3A_116 : vector<16xi32>
      %and3A_118 = vector.broadcast %ge3A_103 : i1 to vector<16xi1>
      %and3A_119 = arith.andi %and3A_118, %eq3A_117 : vector<16xi1>
      %broadcast_in_dim3A_120 = vector.broadcast %reduce_max3A_101 : f32 to vector<16xf32>
      %select_n3A_121 = arith.select %and3A_119, %broadcast_in_dim3A_120, %scan3A_84 : vector<16xi1>, vector<16xf32>
      %broadcast_in_dim3A_122 = vector.broadcast %reduce_min3A_115 : i32 to vector<16xi32>
      %select_n3A_123 = arith.select %and3A_119, %broadcast_in_dim3A_122, %scan3A_85 : vector<16xi1>, vector<16xi32>
      %convert_element_type3A_124 = arith.extui %ge3A_103 : i1 to i32
      %cond3A_125 = arith.constant 0 : i32
      %cond3A_126 = arith.cmpi ne, %convert_element_type3A_124, %cond3A_125 : i32
      scf.if %cond3A_126 {
        %eq3A_127 = vector.broadcast %reduce_max3A_101 : f32 to vector<16xf32>
        %eq3A_128 = arith.cmpf oeq, %scan3A_96#0, %eq3A_127 : vector<16xf32>
        %eq3A_129 = vector.broadcast %reduce_min3A_115 : i32 to vector<16xi32>
        %eq3A_130 = arith.cmpi eq, %scan3A_96#1, %eq3A_129 : vector<16xi32>
        %and3A_131 = arith.andi %eq3A_128, %eq3A_130 : vector<16xi1>
        %jit3A_132 = arith.constant 1073741824 : i32
        %broadcast_in_dim3A_133 = vector.broadcast %jit3A_132 : i32 to vector<16xi32>
        %select_n3A_134 = arith.select %and3A_131, %scan3A_96#2, %broadcast_in_dim3A_133 : vector<16xi1>, vector<16xi32>
        %reduce_min3A_135 = arith.constant true
        %reduce_min3A_136 = vector.broadcast %reduce_min3A_135 : i1 to vector<16xi1>
        %reduce_min3A_137 = arith.constant -2147483648 : i32
        %reduce_min3A_138 = vector.broadcast %reduce_min3A_137 : i32 to vector<16xi32>
        %reduce_min3A_139 = arith.xori %select_n3A_134, %reduce_min3A_138 : vector<16xi32>
        %reduce_min3A_140 = tpu.scan <min>, %reduce_min3A_139 masked %reduce_min3A_136 : vector<16xi32>, vector<16xi1> -> vector<16xi32>
        %reduce_min3A_141 = arith.xori %reduce_min3A_140, %reduce_min3A_138 : vector<16xi32>
        %reduce_min3A_142 = vector.extract %reduce_min3A_141[15] : i32 from vector<16xi32>
        %broadcast_in_dim3A_143 = arith.constant 0 : i32
        %broadcast_in_dim3A_144 = vector.broadcast %broadcast_in_dim3A_143 : i32 to vector<16xi32>
        %add3A_145 = vector.broadcast %reduce_min3A_142 : i32 to vector<16xi32>
        %add3A_146 = arith.addi %broadcast_in_dim3A_144, %add3A_145 : vector<16xi32>
        %broadcast_in_dim3A_147 = arith.constant 0.000000e+00 : f32
        %broadcast_in_dim3A_148 = vector.broadcast %broadcast_in_dim3A_147 : f32 to vector<16xf32>
        %add3A_149 = arith.constant -1.000000e+30 : f32
        %add3A_150 = vector.broadcast %add3A_149 : f32 to vector<16xf32>
        %add3A_151 = arith.addf %broadcast_in_dim3A_148, %add3A_150 : vector<16xf32>
        tpu.vector_store_idx %arg12[%add3A_146], %add3A_151 masked %eq3A_1 : memref<80xf32, #tpu.memory_space<vmem>>[vector<16xi32>], vector<16xf32>, vector<16xi1>
      } else {
      }
      scf.yield %select_n3A_121, %select_n3A_123 : vector<16xf32>, vector<16xi32>
    }
    %scan3A_66 = arith.constant 15 : i32
    "tpu.trace_stop"() : () -> ()
    %swap3A_67 = arith.constant 0 : index
    %swap3A_68 = tpu.vector_load %arg14[%swap3A_67] {strides = array<i32>} : memref<16xf32, #tpu.memory_space<vmem>>, vector<16xf32>,
    tpu.vector_store %arg14[%swap3A_67], %scan3A_65#0 {strides = array<i32>} : memref<16xf32, #tpu.memory_space<vmem>>, vector<16xf32>,
    %swap3A_69 = arith.constant 0 : index
    %swap3A_70 = tpu.vector_load %arg15[%swap3A_69] {strides = array<i32>} : memref<16xi32, #tpu.memory_space<vmem>>, vector<16xi32>,
    tpu.vector_store %arg15[%swap3A_69], %scan3A_65#1 {strides = array<i32>} : memref<16xi32, #tpu.memory_space<vmem>>, vector<16xi32>,
    %mul3A = arith.constant 16 : i32
    %mul3A_71 = arith.muli %arg1, %mul3A : i32
    "tpu.region"() ({
      %run_scoped3A = tpu.sem_alloc : memref<!tpu.dma_semaphore, #tpu.memory_space<semaphore_mem>>
      %dma_start3A = tpu.memref_slice %arg16[%mul3A_71] : memref<272xf32, #tpu.memory_space<vmem_shared>> -> memref<16xf32, #tpu.memory_space<vmem_shared>>
      %dma_start3A_83 = tpu.memref_slice %arg16[%mul3A_71] : memref<272xf32, #tpu.memory_space<vmem_shared>> -> memref<16xf32, #tpu.memory_space<vmem_shared>>
      tpu.enqueue_dma source(%arg14 : memref<16xf32, #tpu.memory_space<vmem>>) target(%dma_start3A_83 : memref<16xf32, #tpu.memory_space<vmem_shared>>) target_semaphore(%run_scoped3A : memref<!tpu.dma_semaphore, #tpu.memory_space<semaphore_mem>>)
      %dma_wait3A = tpu.memref_slice %arg16[%mul3A_71] : memref<272xf32, #tpu.memory_space<vmem_shared>> -> memref<16xf32, #tpu.memory_space<vmem_shared>>
      %dma_wait3A_84 = tpu.memref_slice %arg16[%mul3A_71] : memref<272xf32, #tpu.memory_space<vmem_shared>> -> memref<16xf32, #tpu.memory_space<vmem_shared>>
      tpu.wait_dma2 semaphore(%run_scoped3A : memref<!tpu.dma_semaphore, #tpu.memory_space<semaphore_mem>>) src(%arg14 : memref<16xf32, #tpu.memory_space<vmem>>) dst(%dma_wait3A_84 : memref<16xf32, #tpu.memory_space<vmem_shared>>)
      tpu.yield
    }) : () -> ()
    %mul3A_72 = arith.constant 16 : i32
    %mul3A_73 = arith.muli %arg1, %mul3A_72 : i32
    "tpu.region"() ({
      %run_scoped3A = tpu.sem_alloc : memref<!tpu.dma_semaphore, #tpu.memory_space<semaphore_mem>>
      %dma_start3A = tpu.memref_slice %arg17[%mul3A_73] : memref<272xi32, #tpu.memory_space<vmem_shared>> -> memref<16xi32, #tpu.memory_space<vmem_shared>>
      %dma_start3A_83 = tpu.memref_slice %arg17[%mul3A_73] : memref<272xi32, #tpu.memory_space<vmem_shared>> -> memref<16xi32, #tpu.memory_space<vmem_shared>>
      tpu.enqueue_dma source(%arg15 : memref<16xi32, #tpu.memory_space<vmem>>) target(%dma_start3A_83 : memref<16xi32, #tpu.memory_space<vmem_shared>>) target_semaphore(%run_scoped3A : memref<!tpu.dma_semaphore, #tpu.memory_space<semaphore_mem>>)
      %dma_wait3A = tpu.memref_slice %arg17[%mul3A_73] : memref<272xi32, #tpu.memory_space<vmem_shared>> -> memref<16xi32, #tpu.memory_space<vmem_shared>>
      %dma_wait3A_84 = tpu.memref_slice %arg17[%mul3A_73] : memref<272xi32, #tpu.memory_space<vmem_shared>> -> memref<16xi32, #tpu.memory_space<vmem_shared>>
      tpu.wait_dma2 semaphore(%run_scoped3A : memref<!tpu.dma_semaphore, #tpu.memory_space<semaphore_mem>>) src(%arg15 : memref<16xi32, #tpu.memory_space<vmem>>) dst(%dma_wait3A_84 : memref<16xi32, #tpu.memory_space<vmem_shared>>)
      tpu.yield
    }) : () -> ()
    %eq3A_74 = arith.constant 1 : i32
    %eq3A_75 = arith.cmpi eq, %arg1, %eq3A_74 : i32
    %convert_element_type3A_76 = arith.extui %eq3A_75 : i1 to i32
    %cond3A = arith.constant 0 : i32
    %cond3A_77 = arith.cmpi ne, %convert_element_type3A_76, %cond3A : i32
    scf.if %cond3A_77 {
      "tpu.region"() ({
        %run_scoped3A = tpu.sem_alloc : memref<!tpu.dma_semaphore, #tpu.memory_space<semaphore_mem>>
        %dma_start3A = arith.constant 0 : i32
        %dma_start3A_83 = tpu.memref_slice %arg12[%dma_start3A] : memref<80xf32, #tpu.memory_space<vmem>> -> memref<16xf32, #tpu.memory_space<vmem>>
        %dma_start3A_84 = arith.constant 256 : i32
        %dma_start3A_85 = tpu.memref_slice %arg16[%dma_start3A_84] : memref<272xf32, #tpu.memory_space<vmem_shared>> -> memref<16xf32, #tpu.memory_space<vmem_shared>>
        %dma_start3A_86 = arith.constant 256 : i32
        %dma_start3A_87 = tpu.memref_slice %arg16[%dma_start3A_86] : memref<272xf32, #tpu.memory_space<vmem_shared>> -> memref<16xf32, #tpu.memory_space<vmem_shared>>
        %dma_start3A_88 = arith.constant 0 : i32
        %dma_start3A_89 = tpu.memref_slice %arg12[%dma_start3A_88] : memref<80xf32, #tpu.memory_space<vmem>> -> memref<16xf32, #tpu.memory_space<vmem>>
        tpu.enqueue_dma source(%dma_start3A_89 : memref<16xf32, #tpu.memory_space<vmem>>) target(%dma_start3A_87 : memref<16xf32, #tpu.memory_space<vmem_shared>>) target_semaphore(%run_scoped3A : memref<!tpu.dma_semaphore, #tpu.memory_space<semaphore_mem>>)
        %dma_wait3A = arith.constant 0 : i32
        %dma_wait3A_90 = tpu.memref_slice %arg12[%dma_wait3A] : memref<80xf32, #tpu.memory_space<vmem>> -> memref<16xf32, #tpu.memory_space<vmem>>
        %dma_wait3A_91 = arith.constant 256 : i32
        %dma_wait3A_92 = tpu.memref_slice %arg16[%dma_wait3A_91] : memref<272xf32, #tpu.memory_space<vmem_shared>> -> memref<16xf32, #tpu.memory_space<vmem_shared>>
        %dma_wait3A_93 = arith.constant 256 : i32
        %dma_wait3A_94 = tpu.memref_slice %arg16[%dma_wait3A_93] : memref<272xf32, #tpu.memory_space<vmem_shared>> -> memref<16xf32, #tpu.memory_space<vmem_shared>>
        %dma_wait3A_95 = arith.constant 0 : i32
        %dma_wait3A_96 = tpu.memref_slice %arg12[%dma_wait3A_95] : memref<80xf32, #tpu.memory_space<vmem>> -> memref<16xf32, #tpu.memory_space<vmem>>
        tpu.wait_dma2 semaphore(%run_scoped3A : memref<!tpu.dma_semaphore, #tpu.memory_space<semaphore_mem>>) src(%dma_wait3A_96 : memref<16xf32, #tpu.memory_space<vmem>>) dst(%dma_wait3A_94 : memref<16xf32, #tpu.memory_space<vmem_shared>>)
        tpu.yield
      }) : () -> ()
      "tpu.region"() ({
        %run_scoped3A = tpu.sem_alloc : memref<!tpu.dma_semaphore, #tpu.memory_space<semaphore_mem>>
        %dma_start3A = arith.constant 0 : i32
        %dma_start3A_83 = tpu.memref_slice %arg13[%dma_start3A] : memref<80xi32, #tpu.memory_space<vmem>> -> memref<16xi32, #tpu.memory_space<vmem>>
        %dma_start3A_84 = arith.constant 256 : i32
        %dma_start3A_85 = tpu.memref_slice %arg17[%dma_start3A_84] : memref<272xi32, #tpu.memory_space<vmem_shared>> -> memref<16xi32, #tpu.memory_space<vmem_shared>>
        %dma_start3A_86 = arith.constant 256 : i32
        %dma_start3A_87 = tpu.memref_slice %arg17[%dma_start3A_86] : memref<272xi32, #tpu.memory_space<vmem_shared>> -> memref<16xi32, #tpu.memory_space<vmem_shared>>
        %dma_start3A_88 = arith.constant 0 : i32
        %dma_start3A_89 = tpu.memref_slice %arg13[%dma_start3A_88] : memref<80xi32, #tpu.memory_space<vmem>> -> memref<16xi32, #tpu.memory_space<vmem>>
        tpu.enqueue_dma source(%dma_start3A_89 : memref<16xi32, #tpu.memory_space<vmem>>) target(%dma_start3A_87 : memref<16xi32, #tpu.memory_space<vmem_shared>>) target_semaphore(%run_scoped3A : memref<!tpu.dma_semaphore, #tpu.memory_space<semaphore_mem>>)
        %dma_wait3A = arith.constant 0 : i32
        %dma_wait3A_90 = tpu.memref_slice %arg13[%dma_wait3A] : memref<80xi32, #tpu.memory_space<vmem>> -> memref<16xi32, #tpu.memory_space<vmem>>
        %dma_wait3A_91 = arith.constant 256 : i32
        %dma_wait3A_92 = tpu.memref_slice %arg17[%dma_wait3A_91] : memref<272xi32, #tpu.memory_space<vmem_shared>> -> memref<16xi32, #tpu.memory_space<vmem_shared>>
        %dma_wait3A_93 = arith.constant 256 : i32
        %dma_wait3A_94 = tpu.memref_slice %arg17[%dma_wait3A_93] : memref<272xi32, #tpu.memory_space<vmem_shared>> -> memref<16xi32, #tpu.memory_space<vmem_shared>>
        %dma_wait3A_95 = arith.constant 0 : i32
        %dma_wait3A_96 = tpu.memref_slice %arg13[%dma_wait3A_95] : memref<80xi32, #tpu.memory_space<vmem>> -> memref<16xi32, #tpu.memory_space<vmem>>
        tpu.wait_dma2 semaphore(%run_scoped3A : memref<!tpu.dma_semaphore, #tpu.memory_space<semaphore_mem>>) src(%dma_wait3A_96 : memref<16xi32, #tpu.memory_space<vmem>>) dst(%dma_wait3A_94 : memref<16xi32, #tpu.memory_space<vmem_shared>>)
        tpu.yield
      }) : () -> ()
    } else {
    }
    "tpu.trace_start"() <{level = 10 : i32, message = "ph_bar"}> : () -> ()
    %barrier3A = arith.constant 0 : index
    tpu.barrier barrier_id(%barrier3A)
    %eq3A_78 = arith.constant 0 : i32
    "tpu.trace_stop"() : () -> ()
    %eq3A_79 = arith.cmpi eq, %arg1, %eq3A_78 : i32
    %convert_element_type3A_80 = arith.extui %eq3A_79 : i1 to i32
    %cond3A_81 = arith.constant 0 : i32
    %cond3A_82 = arith.cmpi ne, %convert_element_type3A_80, %cond3A_81 : i32
    scf.if %cond3A_82 {
      "tpu.region"() ({
        %run_scoped3A = tpu.sem_alloc : memref<!tpu.dma_semaphore, #tpu.memory_space<semaphore_mem>>
        tpu.enqueue_dma source(%arg16 : memref<272xf32, #tpu.memory_space<vmem_shared>>) target(%arg18 : memref<272xf32, #tpu.memory_space<vmem>>) target_semaphore(%run_scoped3A : memref<!tpu.dma_semaphore, #tpu.memory_space<semaphore_mem>>)
        tpu.wait_dma2 semaphore(%run_scoped3A : memref<!tpu.dma_semaphore, #tpu.memory_space<semaphore_mem>>) src(%arg16 : memref<272xf32, #tpu.memory_space<vmem_shared>>) dst(%arg18 : memref<272xf32, #tpu.memory_space<vmem>>)
        tpu.yield
      }) : () -> ()
      "tpu.region"() ({
        %run_scoped3A = tpu.sem_alloc : memref<!tpu.dma_semaphore, #tpu.memory_space<semaphore_mem>>
        tpu.enqueue_dma source(%arg17 : memref<272xi32, #tpu.memory_space<vmem_shared>>) target(%arg19 : memref<272xi32, #tpu.memory_space<vmem>>) target_semaphore(%run_scoped3A : memref<!tpu.dma_semaphore, #tpu.memory_space<semaphore_mem>>)
        tpu.wait_dma2 semaphore(%run_scoped3A : memref<!tpu.dma_semaphore, #tpu.memory_space<semaphore_mem>>) src(%arg17 : memref<272xi32, #tpu.memory_space<vmem_shared>>) dst(%arg19 : memref<272xi32, #tpu.memory_space<vmem>>)
        tpu.yield
      }) : () -> ()
      %broadcast_in_dim3A_83 = arith.constant -1.000000e+30 : f32
      %broadcast_in_dim3A_84 = vector.broadcast %broadcast_in_dim3A_83 : f32 to vector<16xf32>
      %broadcast_in_dim3A_85 = arith.constant 0 : i32
      %broadcast_in_dim3A_86 = vector.broadcast %broadcast_in_dim3A_85 : i32 to vector<16xi32>
      %scan3A_87 = arith.constant 0 : i32
      %scan3A_88 = arith.constant 15 : i32
      %scan3A_89 = arith.addi %scan3A_87, %scan3A_88 : i32
      %scan3A_90 = arith.constant 1 : i32
      %scan3A_91:2 = scf.for %scan3A_209 = %scan3A_87 to %scan3A_89 step %scan3A_90 iter_args(%scan3A_210 = %broadcast_in_dim3A_84, %scan3A_211 = %broadcast_in_dim3A_86) -> (vector<16xf32>, vector<16xi32>)  : i32 {
        %broadcast_in_dim3A_212 = arith.constant -1.000000e+30 : f32
        %broadcast_in_dim3A_213 = vector.broadcast %broadcast_in_dim3A_212 : f32 to vector<16xf32>
        %broadcast_in_dim3A_214 = arith.constant 1073741824 : i32
        %broadcast_in_dim3A_215 = vector.broadcast %broadcast_in_dim3A_214 : i32 to vector<16xi32>
        %broadcast_in_dim3A_216 = arith.constant 1073741824 : i32
        %broadcast_in_dim3A_217 = vector.broadcast %broadcast_in_dim3A_216 : i32 to vector<16xi32>
        %scan3A_218 = arith.constant 0 : i32
        %scan3A_219 = arith.constant 16 : i32
        %scan3A_220 = arith.addi %scan3A_218, %scan3A_219 : i32
        %scan3A_221 = arith.constant 1 : i32
        %scan3A_222:3 = scf.for %scan3A_253 = %scan3A_218 to %scan3A_220 step %scan3A_221 iter_args(%scan3A_254 = %broadcast_in_dim3A_213, %scan3A_255 = %broadcast_in_dim3A_215, %scan3A_256 = %broadcast_in_dim3A_217) -> (vector<16xf32>, vector<16xi32>, vector<16xi32>)  : i32 {
          %mul3A_257 = arith.constant 16 : i32
          %mul3A_258 = arith.muli %scan3A_253, %mul3A_257 : i32
          %get3A_259 = arith.index_cast %mul3A_258 : i32 to index
          %get3A_260 = tpu.vector_load %arg18[%get3A_259] {strides = array<i32>} : memref<272xf32, #tpu.memory_space<vmem>>, vector<16xf32>,
          %get3A_261 = arith.index_cast %mul3A_258 : i32 to index
          %get3A_262 = tpu.vector_load %arg19[%get3A_261] {strides = array<i32>} : memref<272xi32, #tpu.memory_space<vmem>>, vector<16xi32>,
          %gt3A = arith.cmpf ogt, %get3A_260, %scan3A_254 : vector<16xf32>
          %eq3A_263 = arith.cmpf oeq, %get3A_260, %scan3A_254 : vector<16xf32>
          %lt3A_264 = arith.cmpi slt, %get3A_262, %scan3A_255 : vector<16xi32>
          %and3A_265 = arith.andi %eq3A_263, %lt3A_264 : vector<16xi1>
          %or3A = arith.ori %gt3A, %and3A_265 : vector<16xi1>
          %select_n3A_266 = arith.select %or3A, %get3A_260, %scan3A_254 : vector<16xi1>, vector<16xf32>
          %select_n3A_267 = arith.select %or3A, %get3A_262, %scan3A_255 : vector<16xi1>, vector<16xi32>
          %add3A_268 = vector.broadcast %mul3A_258 : i32 to vector<16xi32>
          %add3A_269 = arith.addi %add3A_268, %iota3A : vector<16xi32>
          %select_n3A_270 = arith.select %or3A, %add3A_269, %scan3A_256 : vector<16xi1>, vector<16xi32>
          scf.yield %select_n3A_266, %select_n3A_267, %select_n3A_270 : vector<16xf32>, vector<16xi32>, vector<16xi32>
        }
        %scan3A_223 = arith.constant 16 : i32
        %reduce_max3A_224 = arith.constant true
        %reduce_max3A_225 = vector.broadcast %reduce_max3A_224 : i1 to vector<16xi1>
        %reduce_max3A_226 = tpu.scan <max>, %scan3A_222#0 masked %reduce_max3A_225 : vector<16xf32>, vector<16xi1> -> vector<16xf32>
        %reduce_max3A_227 = vector.extract %reduce_max3A_226[15] : f32 from vector<16xf32>
        %ge3A_228 = arith.constant 0.000000e+00 : f32
        %ge3A_229 = arith.cmpf oge, %reduce_max3A_227, %ge3A_228 : f32
        %eq3A_230 = vector.broadcast %reduce_max3A_227 : f32 to vector<16xf32>
        %eq3A_231 = arith.cmpf oeq, %scan3A_222#0, %eq3A_230 : vector<16xf32>
        %jit3A_232 = arith.constant 1073741824 : i32
        %broadcast_in_dim3A_233 = vector.broadcast %jit3A_232 : i32 to vector<16xi32>
        %select_n3A_234 = arith.select %eq3A_231, %scan3A_222#1, %broadcast_in_dim3A_233 : vector<16xi1>, vector<16xi32>
        %reduce_min3A = arith.constant true
        %reduce_min3A_235 = vector.broadcast %reduce_min3A : i1 to vector<16xi1>
        %reduce_min3A_236 = arith.constant -2147483648 : i32
        %reduce_min3A_237 = vector.broadcast %reduce_min3A_236 : i32 to vector<16xi32>
        %reduce_min3A_238 = arith.xori %select_n3A_234, %reduce_min3A_237 : vector<16xi32>
        %reduce_min3A_239 = tpu.scan <min>, %reduce_min3A_238 masked %reduce_min3A_235 : vector<16xi32>, vector<16xi1> -> vector<16xi32>
        %reduce_min3A_240 = arith.xori %reduce_min3A_239, %reduce_min3A_237 : vector<16xi32>
        %reduce_min3A_241 = vector.extract %reduce_min3A_240[15] : i32 from vector<16xi32>
        %eq3A_242 = vector.broadcast %scan3A_209 : i32 to vector<16xi32>
        %eq3A_243 = arith.cmpi eq, %iota3A, %eq3A_242 : vector<16xi32>
        %and3A_244 = vector.broadcast %ge3A_229 : i1 to vector<16xi1>
        %and3A_245 = arith.andi %and3A_244, %eq3A_243 : vector<16xi1>
        %broadcast_in_dim3A_246 = vector.broadcast %reduce_max3A_227 : f32 to vector<16xf32>
        %select_n3A_247 = arith.select %and3A_245, %broadcast_in_dim3A_246, %scan3A_210 : vector<16xi1>, vector<16xf32>
        %broadcast_in_dim3A_248 = vector.broadcast %reduce_min3A_241 : i32 to vector<16xi32>
        %select_n3A_249 = arith.select %and3A_245, %broadcast_in_dim3A_248, %scan3A_211 : vector<16xi1>, vector<16xi32>
        %convert_element_type3A_250 = arith.extui %ge3A_229 : i1 to i32
        %cond3A_251 = arith.constant 0 : i32
        %cond3A_252 = arith.cmpi ne, %convert_element_type3A_250, %cond3A_251 : i32
        scf.if %cond3A_252 {
          %eq3A_253 = vector.broadcast %reduce_max3A_227 : f32 to vector<16xf32>
          %eq3A_254 = arith.cmpf oeq, %scan3A_222#0, %eq3A_253 : vector<16xf32>
          %eq3A_255 = vector.broadcast %reduce_min3A_241 : i32 to vector<16xi32>
          %eq3A_256 = arith.cmpi eq, %scan3A_222#1, %eq3A_255 : vector<16xi32>
          %and3A_257 = arith.andi %eq3A_254, %eq3A_256 : vector<16xi1>
          %jit3A_258 = arith.constant 1073741824 : i32
          %broadcast_in_dim3A_259 = vector.broadcast %jit3A_258 : i32 to vector<16xi32>
          %select_n3A_260 = arith.select %and3A_257, %scan3A_222#2, %broadcast_in_dim3A_259 : vector<16xi1>, vector<16xi32>
          %reduce_min3A_261 = arith.constant true
          %reduce_min3A_262 = vector.broadcast %reduce_min3A_261 : i1 to vector<16xi1>
          %reduce_min3A_263 = arith.constant -2147483648 : i32
          %reduce_min3A_264 = vector.broadcast %reduce_min3A_263 : i32 to vector<16xi32>
          %reduce_min3A_265 = arith.xori %select_n3A_260, %reduce_min3A_264 : vector<16xi32>
          %reduce_min3A_266 = tpu.scan <min>, %reduce_min3A_265 masked %reduce_min3A_262 : vector<16xi32>, vector<16xi1> -> vector<16xi32>
          %reduce_min3A_267 = arith.xori %reduce_min3A_266, %reduce_min3A_264 : vector<16xi32>
          %reduce_min3A_268 = vector.extract %reduce_min3A_267[15] : i32 from vector<16xi32>
          %broadcast_in_dim3A_269 = arith.constant 0 : i32
          %broadcast_in_dim3A_270 = vector.broadcast %broadcast_in_dim3A_269 : i32 to vector<16xi32>
          %add3A_271 = vector.broadcast %reduce_min3A_268 : i32 to vector<16xi32>
          %add3A_272 = arith.addi %broadcast_in_dim3A_270, %add3A_271 : vector<16xi32>
          %broadcast_in_dim3A_273 = arith.constant 0.000000e+00 : f32
          %broadcast_in_dim3A_274 = vector.broadcast %broadcast_in_dim3A_273 : f32 to vector<16xf32>
          %add3A_275 = arith.constant -1.000000e+30 : f32
          %add3A_276 = vector.broadcast %add3A_275 : f32 to vector<16xf32>
          %add3A_277 = arith.addf %broadcast_in_dim3A_274, %add3A_276 : vector<16xf32>
          tpu.vector_store_idx %arg18[%add3A_272], %add3A_277 masked %eq3A_1 : memref<272xf32, #tpu.memory_space<vmem>>[vector<16xi32>], vector<16xf32>, vector<16xi1>
        } else {
        }
        scf.yield %select_n3A_247, %select_n3A_249 : vector<16xf32>, vector<16xi32>
      }
      %scan3A_92 = arith.constant 15 : i32
      %get3A_93 = arith.constant 256 : index
      %get3A_94 = tpu.vector_load %arg18[%get3A_93] {strides = array<i32>} : memref<272xf32, #tpu.memory_space<vmem>>, vector<16xf32>,
      %get3A_95 = arith.constant 256 : index
      %get3A_96 = tpu.vector_load %arg19[%get3A_95] {strides = array<i32>} : memref<272xi32, #tpu.memory_space<vmem>>, vector<16xi32>,
      %ge3A_97 = arith.constant 0.000000e+00 : f32
      %ge3A_98 = vector.broadcast %ge3A_97 : f32 to vector<16xf32>
      %ge3A_99 = arith.cmpf oge, %get3A_94, %ge3A_98 : vector<16xf32>
      %jit3A_100 = arith.constant 0 : i32
      %broadcast_in_dim3A_101 = vector.broadcast %jit3A_100 : i32 to vector<16xi32>
      %select_n3A_102 = arith.select %ge3A_99, %get3A_96, %broadcast_in_dim3A_101 : vector<16xi1>, vector<16xi32>
      %ge3A_103 = arith.constant 0.000000e+00 : f32
      %ge3A_104 = vector.broadcast %ge3A_103 : f32 to vector<16xf32>
      %ge3A_105 = arith.cmpf oge, %get3A_94, %ge3A_104 : vector<16xf32>
      %add3A_106 = arith.constant 0 : i32
      %add3A_107 = vector.broadcast %add3A_106 : i32 to vector<16xi32>
      %add3A_108 = arith.addi %add3A_107, %iota3A : vector<16xi32>
      %lt3A = arith.constant 15 : i32
      %lt3A_109 = vector.broadcast %lt3A : i32 to vector<16xi32>
      %lt3A_110 = arith.cmpi slt, %iota3A, %lt3A_109 : vector<16xi32>
      %gather3A = tpu.vector_load_idx %arg4[%select_n3A_102] : memref<30064xf32, #tpu.memory_space<vmem>>[vector<16xi32>], vector<16xf32>,
      %add3A_111 = arith.constant 5008 : i32
      %add3A_112 = vector.broadcast %add3A_111 : i32 to vector<16xi32>
      %add3A_113 = arith.addi %select_n3A_102, %add3A_112 : vector<16xi32>
      %gather3A_114 = tpu.vector_load_idx %arg4[%add3A_113] : memref<30064xf32, #tpu.memory_space<vmem>>[vector<16xi32>], vector<16xf32>,
      %add3A_115 = arith.constant 10016 : i32
      %add3A_116 = vector.broadcast %add3A_115 : i32 to vector<16xi32>
      %add3A_117 = arith.addi %select_n3A_102, %add3A_116 : vector<16xi32>
      %gather3A_118 = tpu.vector_load_idx %arg4[%add3A_117] : memref<30064xf32, #tpu.memory_space<vmem>>[vector<16xi32>], vector<16xf32>,
      %add3A_119 = arith.constant 15024 : i32
      %add3A_120 = vector.broadcast %add3A_119 : i32 to vector<16xi32>
      %add3A_121 = arith.addi %select_n3A_102, %add3A_120 : vector<16xi32>
      %gather3A_122 = tpu.vector_load_idx %arg4[%add3A_121] : memref<30064xf32, #tpu.memory_space<vmem>>[vector<16xi32>], vector<16xf32>,
      %broadcast_in_dim3A_123 = arith.constant 0.000000e+00 : f32
      %broadcast_in_dim3A_124 = vector.broadcast %broadcast_in_dim3A_123 : f32 to vector<16xf32>
      %broadcast_in_dim3A_125 = arith.constant 0 : i32
      %broadcast_in_dim3A_126 = vector.broadcast %broadcast_in_dim3A_125 : i32 to vector<16xi32>
      %add3A_127 = arith.constant 0 : i32
      %add3A_128 = vector.broadcast %add3A_127 : i32 to vector<16xi32>
      %add3A_129 = arith.addi %broadcast_in_dim3A_126, %add3A_128 : vector<16xi32>
      %select_n3A_130 = arith.select %ge3A_105, %gather3A, %broadcast_in_dim3A_124 : vector<16xi1>, vector<16xf32>
      tpu.vector_store_idx %arg20[%add3A_108, %add3A_129], %select_n3A_130 masked %lt3A_110 : memref<30x5xf32, #tpu.memory_space<vmem>>[vector<16xi32>, vector<16xi32>], vector<16xf32>, vector<16xi1>
      %broadcast_in_dim3A_131 = arith.constant 0 : i32
      %broadcast_in_dim3A_132 = vector.broadcast %broadcast_in_dim3A_131 : i32 to vector<16xi32>
      %add3A_133 = arith.constant 1 : i32
      %add3A_134 = vector.broadcast %add3A_133 : i32 to vector<16xi32>
      %add3A_135 = arith.addi %broadcast_in_dim3A_132, %add3A_134 : vector<16xi32>
      %select_n3A_136 = arith.select %ge3A_105, %gather3A_114, %broadcast_in_dim3A_124 : vector<16xi1>, vector<16xf32>
      tpu.vector_store_idx %arg20[%add3A_108, %add3A_135], %select_n3A_136 masked %lt3A_110 : memref<30x5xf32, #tpu.memory_space<vmem>>[vector<16xi32>, vector<16xi32>], vector<16xf32>, vector<16xi1>
      %broadcast_in_dim3A_137 = arith.constant 0 : i32
      %broadcast_in_dim3A_138 = vector.broadcast %broadcast_in_dim3A_137 : i32 to vector<16xi32>
      %add3A_139 = arith.constant 2 : i32
      %add3A_140 = vector.broadcast %add3A_139 : i32 to vector<16xi32>
      %add3A_141 = arith.addi %broadcast_in_dim3A_138, %add3A_140 : vector<16xi32>
      %select_n3A_142 = arith.select %ge3A_105, %gather3A_118, %broadcast_in_dim3A_124 : vector<16xi1>, vector<16xf32>
      tpu.vector_store_idx %arg20[%add3A_108, %add3A_141], %select_n3A_142 masked %lt3A_110 : memref<30x5xf32, #tpu.memory_space<vmem>>[vector<16xi32>, vector<16xi32>], vector<16xf32>, vector<16xi1>
      %broadcast_in_dim3A_143 = arith.constant 0 : i32
      %broadcast_in_dim3A_144 = vector.broadcast %broadcast_in_dim3A_143 : i32 to vector<16xi32>
      %add3A_145 = arith.constant 3 : i32
      %add3A_146 = vector.broadcast %add3A_145 : i32 to vector<16xi32>
      %add3A_147 = arith.addi %broadcast_in_dim3A_144, %add3A_146 : vector<16xi32>
      %select_n3A_148 = arith.select %ge3A_105, %gather3A_122, %broadcast_in_dim3A_124 : vector<16xi1>, vector<16xf32>
      tpu.vector_store_idx %arg20[%add3A_108, %add3A_147], %select_n3A_148 masked %lt3A_110 : memref<30x5xf32, #tpu.memory_space<vmem>>[vector<16xi32>, vector<16xi32>], vector<16xf32>, vector<16xi1>
      %broadcast_in_dim3A_149 = arith.constant 0 : i32
      %broadcast_in_dim3A_150 = vector.broadcast %broadcast_in_dim3A_149 : i32 to vector<16xi32>
      %add3A_151 = arith.constant 4 : i32
      %add3A_152 = vector.broadcast %add3A_151 : i32 to vector<16xi32>
      %add3A_153 = arith.addi %broadcast_in_dim3A_150, %add3A_152 : vector<16xi32>
      %select_n3A_154 = arith.select %ge3A_105, %get3A_94, %broadcast_in_dim3A_124 : vector<16xi1>, vector<16xf32>
      tpu.vector_store_idx %arg20[%add3A_108, %add3A_153], %select_n3A_154 masked %lt3A_110 : memref<30x5xf32, #tpu.memory_space<vmem>>[vector<16xi32>, vector<16xi32>], vector<16xf32>, vector<16xi1>
      %ge3A_155 = arith.constant 0.000000e+00 : f32
      %ge3A_156 = vector.broadcast %ge3A_155 : f32 to vector<16xf32>
      %ge3A_157 = arith.cmpf oge, %scan3A_91#0, %ge3A_156 : vector<16xf32>
      %add3A_158 = arith.constant 15 : i32
      %add3A_159 = vector.broadcast %add3A_158 : i32 to vector<16xi32>
      %add3A_160 = arith.addi %add3A_159, %iota3A : vector<16xi32>
      %lt3A_161 = arith.constant 15 : i32
      %lt3A_162 = vector.broadcast %lt3A_161 : i32 to vector<16xi32>
      %lt3A_163 = arith.cmpi slt, %iota3A, %lt3A_162 : vector<16xi32>
      %gather3A_164 = tpu.vector_load_idx %arg4[%scan3A_91#1] : memref<30064xf32, #tpu.memory_space<vmem>>[vector<16xi32>], vector<16xf32>,
      %add3A_165 = arith.constant 5008 : i32
      %add3A_166 = vector.broadcast %add3A_165 : i32 to vector<16xi32>
      %add3A_167 = arith.addi %scan3A_91#1, %add3A_166 : vector<16xi32>
      %gather3A_168 = tpu.vector_load_idx %arg4[%add3A_167] : memref<30064xf32, #tpu.memory_space<vmem>>[vector<16xi32>], vector<16xf32>,
      %add3A_169 = arith.constant 10016 : i32
      %add3A_170 = vector.broadcast %add3A_169 : i32 to vector<16xi32>
      %add3A_171 = arith.addi %scan3A_91#1, %add3A_170 : vector<16xi32>
      %gather3A_172 = tpu.vector_load_idx %arg4[%add3A_171] : memref<30064xf32, #tpu.memory_space<vmem>>[vector<16xi32>], vector<16xf32>,
      %add3A_173 = arith.constant 15024 : i32
      %add3A_174 = vector.broadcast %add3A_173 : i32 to vector<16xi32>
      %add3A_175 = arith.addi %scan3A_91#1, %add3A_174 : vector<16xi32>
      %gather3A_176 = tpu.vector_load_idx %arg4[%add3A_175] : memref<30064xf32, #tpu.memory_space<vmem>>[vector<16xi32>], vector<16xf32>,
      %broadcast_in_dim3A_177 = arith.constant 0.000000e+00 : f32
      %broadcast_in_dim3A_178 = vector.broadcast %broadcast_in_dim3A_177 : f32 to vector<16xf32>
      %broadcast_in_dim3A_179 = arith.constant 0 : i32
      %broadcast_in_dim3A_180 = vector.broadcast %broadcast_in_dim3A_179 : i32 to vector<16xi32>
      %add3A_181 = arith.constant 0 : i32
      %add3A_182 = vector.broadcast %add3A_181 : i32 to vector<16xi32>
      %add3A_183 = arith.addi %broadcast_in_dim3A_180, %add3A_182 : vector<16xi32>
      %select_n3A_184 = arith.select %ge3A_157, %gather3A_164, %broadcast_in_dim3A_178 : vector<16xi1>, vector<16xf32>
      tpu.vector_store_idx %arg20[%add3A_160, %add3A_183], %select_n3A_184 masked %lt3A_163 : memref<30x5xf32, #tpu.memory_space<vmem>>[vector<16xi32>, vector<16xi32>], vector<16xf32>, vector<16xi1>
      %broadcast_in_dim3A_185 = arith.constant 0 : i32
      %broadcast_in_dim3A_186 = vector.broadcast %broadcast_in_dim3A_185 : i32 to vector<16xi32>
      %add3A_187 = arith.constant 1 : i32
      %add3A_188 = vector.broadcast %add3A_187 : i32 to vector<16xi32>
      %add3A_189 = arith.addi %broadcast_in_dim3A_186, %add3A_188 : vector<16xi32>
      %select_n3A_190 = arith.select %ge3A_157, %gather3A_168, %broadcast_in_dim3A_178 : vector<16xi1>, vector<16xf32>
      tpu.vector_store_idx %arg20[%add3A_160, %add3A_189], %select_n3A_190 masked %lt3A_163 : memref<30x5xf32, #tpu.memory_space<vmem>>[vector<16xi32>, vector<16xi32>], vector<16xf32>, vector<16xi1>
      %broadcast_in_dim3A_191 = arith.constant 0 : i32
      %broadcast_in_dim3A_192 = vector.broadcast %broadcast_in_dim3A_191 : i32 to vector<16xi32>
      %add3A_193 = arith.constant 2 : i32
      %add3A_194 = vector.broadcast %add3A_193 : i32 to vector<16xi32>
      %add3A_195 = arith.addi %broadcast_in_dim3A_192, %add3A_194 : vector<16xi32>
      %select_n3A_196 = arith.select %ge3A_157, %gather3A_172, %broadcast_in_dim3A_178 : vector<16xi1>, vector<16xf32>
      tpu.vector_store_idx %arg20[%add3A_160, %add3A_195], %select_n3A_196 masked %lt3A_163 : memref<30x5xf32, #tpu.memory_space<vmem>>[vector<16xi32>, vector<16xi32>], vector<16xf32>, vector<16xi1>
      %broadcast_in_dim3A_197 = arith.constant 0 : i32
      %broadcast_in_dim3A_198 = vector.broadcast %broadcast_in_dim3A_197 : i32 to vector<16xi32>
      %add3A_199 = arith.constant 3 : i32
      %add3A_200 = vector.broadcast %add3A_199 : i32 to vector<16xi32>
      %add3A_201 = arith.addi %broadcast_in_dim3A_198, %add3A_200 : vector<16xi32>
      %select_n3A_202 = arith.select %ge3A_157, %gather3A_176, %broadcast_in_dim3A_178 : vector<16xi1>, vector<16xf32>
      tpu.vector_store_idx %arg20[%add3A_160, %add3A_201], %select_n3A_202 masked %lt3A_163 : memref<30x5xf32, #tpu.memory_space<vmem>>[vector<16xi32>, vector<16xi32>], vector<16xf32>, vector<16xi1>
      %broadcast_in_dim3A_203 = arith.constant 0 : i32
      %broadcast_in_dim3A_204 = vector.broadcast %broadcast_in_dim3A_203 : i32 to vector<16xi32>
      %add3A_205 = arith.constant 4 : i32
      %add3A_206 = vector.broadcast %add3A_205 : i32 to vector<16xi32>
      %add3A_207 = arith.addi %broadcast_in_dim3A_204, %add3A_206 : vector<16xi32>
      %select_n3A_208 = arith.select %ge3A_157, %scan3A_91#0, %broadcast_in_dim3A_178 : vector<16xi1>, vector<16xf32>
      tpu.vector_store_idx %arg20[%add3A_160, %add3A_207], %select_n3A_208 masked %lt3A_163 : memref<30x5xf32, #tpu.memory_space<vmem>>[vector<16xi32>, vector<16xi32>], vector<16xf32>, vector<16xi1>
      "tpu.region"() ({
        %run_scoped3A = tpu.sem_alloc : memref<!tpu.dma_semaphore, #tpu.memory_space<semaphore_mem>>
        tpu.enqueue_dma source(%arg20 : memref<30x5xf32, #tpu.memory_space<vmem>>) target(%arg3 : memref<30x5xf32, #tpu.memory_space<hbm>>) target_semaphore(%run_scoped3A : memref<!tpu.dma_semaphore, #tpu.memory_space<semaphore_mem>>)
        tpu.wait_dma2 semaphore(%run_scoped3A : memref<!tpu.dma_semaphore, #tpu.memory_space<semaphore_mem>>) src(%arg20 : memref<30x5xf32, #tpu.memory_space<vmem>>) dst(%arg3 : memref<30x5xf32, #tpu.memory_space<hbm>>)
        tpu.yield
      }) : () -> ()
    } else {
    }
    return
  }
}

</mosaic_0001>

<sc_bundles>
// kernel: kernel.3.cloned.1.call-start
scs
__scs_entry_jumppad:
0x0: {  	(pc) =	sbr.rel $0x88, $3  }
0x1: {  	(tag) =	ssettag $0x0;
	lr =	simm.s32 $0x1  }
0x2: {  	[smem:$0x3F9E] =	sst lr;
	_ =	strace $0xD0000000  }
0x3: {  	_ = 	snop  }
0x4: {  	_ = 	snop  }
0x5: {  	_ = 	snop  }
0x6: {  	_ = 	snop  }
0x7: {  	_ = 	snop  }
__scs_overlays_trampoline_lowered:
0x8: {  	[smem:$0x3FAD] =	sst s0  }
0x9: {  	[smem:$0x3FAE] =	sst s1  }
0xa: {  	[smem:$0x3FAF] =	sst s2  }
0xb: {  	[smem:$0x3FB0] =	sst s3  }
0xc: {  	[smem:$0x3FB1] =	sst s4  }
0xd: {  	[smem:$0x3FB2] =	sst s5  }
0xe: {  	[smem:$0x3FB3] =	sst s6  }
0xf: {  	[smem:$0x3FB4] =	sst s7  }
0x10: {  	[smem:$0x3FB5] =	sst s8  }
0x11: {  	[smem:$0x3FB6] =	sst s9;
	s0 =	simm.s32 @!p0 $0x0  }
0x12: {  	s1 =	sld [smem:$0x3F9C];
	s0 =	simm.s32 @p0 $0x1  }
0x13: {  	[smem:$0x3FB7] =	sst s0;
	s0 =	simm.s32 @!p1 $0x0  }
0x14: {  	s2 =	sld [smem:$0x3F9B];
	s0 =	simm.s32 @p1 $0x1  }
0x15: {  	[smem:$0x3FB8] =	sst s0;
	s0 =	simm.s32 @!p2 $0x0  }
0x16: {  	s3 =	sld [smem:$0x3FDB];
	s0 =	simm.s32 @p2 $0x1  }
0x17: {  	s4 =	simm.s32 $0x1BF5;
	[smem:$0x3FBA] =	sst s0  }
0x18: {  	s0 =	sld [smem:$0x3F9D];
	_ =	swait.ge [sflag:s4], $0x0  }
0x19: {  	s7 =	sld [smem:$0x3F9E]  }
0x1a: {  	s8 =	sadd.s32 $0xFFFFE003, lr  }
0x1b: {  	s9 =	sadd.s32 $0xFFFFFEF7, lr;
	s5 =	simm.s32 $0xFFFFFFFF;
	p2 =	slt.u32 s8, $0xFFFFF086  }
0x1c: {  	p1 =	slt.u32 s9, $0xF7A;
	s5 =	simm.s32 @!p2 $0x0  }
0x1d: {  	s5 =	simm.s32 @p1 $0x1;
	p0 =	seq.s32 s7, s2  }
0x1e: {  	s7 =	smul.u32 @!p0 $0xF7A, s2;
	p2 =	seq.s32 @!p0 s5, $0x0  }
0x1f: {  	s9 =	smul.u32 $0xF7A, s1;
	s8 =	simm.s32 @!p0 $0x1BF5;
	p2 =	por !p2, p0  }
0x20: {  	[sflag:s8] =	ssyncset.s32 @!p0 $0xFFFFF086;
	s6 =	sadd.s32 @!p0 s3, s7;
	s7 =	simm.s32 @!p0 $0x108  }
0x21: {  	s3 =	sadd.s32 s3, s9;
	s6 =	sadd.s32 @!p0 $0x88, s6;
	s7 =	simm.s32 @p2 $0x1082  }
0x22: {  	[simem:s7], [sflag:s8] =	dma.local @!p0 [hbm:s6], $0xF7A  }
0x23: {  	s9 =	sor.u32 $0xD0000000, s2;
	s6 =	simm.s32 $0x108;
	_ =	swait.ge @!p0 [sflag:s8], $0x0  }
0x24: {  	s3 =	sadd.s32 $0x88, s3;
	s6 =	simm.s32 @!p1 $0x1082;
	[sflag:s4] =	ssyncset.s32 $0xFFFFF086  }
0x25: {  	[simem:s6], [sflag:s4] =	dma.local [hbm:s3], $0xF7A  }
0x26: {  	[smem:$0x3F9E] =	sst s1;
	(tag) =	ssettag s2;
	_ =	strace s9  }
0x27: {  	s1 =	sld [smem:$0x3FAE]  }
0x28: {  	s2 =	sld [smem:$0x3FAF]  }
0x29: {  	s4 =	sld [smem:$0x3FB1]  }
0x2a: {  	p0 =	seq.s32 s5, $0x0;
	s5 =	sld [smem:$0x3FB2]  }
0x2b: {  	s6 =	sld [smem:$0x3FB3]  }
0x2c: {  	s7 =	sld [smem:$0x3FB4]  }
0x2d: {  	s3 =	simm.s32 $0x108;
	s8 =	sld [smem:$0x3FB5]  }
0x2e: {  	s3 =	simm.s32 @!p0 $0x1082;
	s9 =	sld [smem:$0x3FB6]  }
0x2f: {  	lr =	sadd.s32 s0, s3;
	s0 =	sld [smem:$0x3FAD]  }
0x30: {  	s3 =	sld [smem:$0x3FB0]  }
0x31: {  	[smem:$0x3FB9] =	sst s10  }
0x32: {  	s10 =	sld [smem:$0x3FB7];
	_ =	sdelay $0x3  }
0x33: {  	p0 =	seq.s32 s10, $0x1;
	s10 =	sld [smem:$0x3FB9];
	_ =	sdelay $0x3  }
0x34: {  	[smem:$0x3FB9] =	sst s10  }
0x35: {  	s10 =	sld [smem:$0x3FB8];
	_ =	sdelay $0x3  }
0x36: {  	p1 =	seq.s32 s10, $0x1;
	s10 =	sld [smem:$0x3FB9];
	_ =	sdelay $0x3  }
0x37: {  	[smem:$0x3FB9] =	sst s10  }
0x38: {  	s10 =	sld [smem:$0x3FBA]  }
0x39: {  	_ = 	snop;
	(pc) =	sbr.ind lr, $3  }
0x3a: {  	_ = 	snop  }
0x3b: {  	_ = 	snop  }
0x3c: {  	p2 =	seq.s32 s10, $0x1;
	s10 =	sld [smem:$0x3FB9]  }
0x3d: {  	_ =	shalt  }
0x3e: {  	_ =	shalt  }
0x3f: {  	_ =	shalt  }
0x40: {  	_ =	shalt  }
0x41: {  	_ =	shalt  }
0x42: {  	_ =	shalt  }
0x43: {  	_ =	shalt  }
0x44: {  	_ =	shalt  }
0x45: {  	_ =	shalt  }
0x46: {  	_ =	shalt  }
0x47: {  	_ =	shalt  }
0x48: {  	_ =	shalt  }
0x49: {  	_ =	shalt  }
0x4a: {  	_ =	shalt  }
0x4b: {  	_ =	shalt  }
0x4c: {  	_ =	shalt  }
0x4d: {  	_ =	shalt  }
0x4e: {  	_ =	shalt  }
0x4f: {  	_ =	shalt  }
0x50: {  	_ =	shalt  }
0x51: {  	_ =	shalt  }
0x52: {  	_ =	shalt  }
0x53: {  	_ =	shalt  }
0x54: {  	_ =	shalt  }
0x55: {  	_ =	shalt  }
0x56: {  	_ =	shalt  }
0x57: {  	_ =	shalt  }
0x58: {  	_ =	shalt  }
0x59: {  	_ =	shalt  }
0x5a: {  	_ =	shalt  }
0x5b: {  	_ =	shalt  }
0x5c: {  	_ =	shalt  }
0x5d: {  	_ =	shalt  }
0x5e: {  	_ =	shalt  }
0x5f: {  	_ =	shalt  }
0x60: {  	_ =	shalt  }
0x61: {  	_ =	shalt  }
0x62: {  	_ =	shalt  }
0x63: {  	_ =	shalt  }
0x64: {  	_ =	shalt  }
0x65: {  	_ =	shalt  }
0x66: {  	_ =	shalt  }
0x67: {  	_ =	shalt  }
0x68: {  	_ =	shalt  }
0x69: {  	_ =	shalt  }
0x6a: {  	_ =	shalt  }
0x6b: {  	_ =	shalt  }
0x6c: {  	_ =	shalt  }
0x6d: {  	_ =	shalt  }
0x6e: {  	_ =	shalt  }
0x6f: {  	_ =	shalt  }
0x70: {  	_ =	shalt  }
0x71: {  	_ =	shalt  }
0x72: {  	_ =	shalt  }
0x73: {  	_ =	shalt  }
0x74: {  	_ =	shalt  }
0x75: {  	_ =	shalt  }
0x76: {  	_ =	shalt  }
0x77: {  	_ =	shalt  }
0x78: {  	_ =	shalt  }
0x79: {  	_ =	shalt  }
0x7a: {  	_ =	shalt  }
0x7b: {  	_ =	shalt  }
0x7c: {  	_ =	shalt  }
0x7d: {  	_ =	shalt  }
0x7e: {  	_ =	shalt  }
0x7f: {  	_ =	shalt  }
0x80: {  	_ =	shalt  }
0x81: {  	_ =	shalt  }
0x82: {  	_ =	shalt  }
0x83: {  	_ =	shalt  }
0x84: {  	_ =	shalt  }
0x85: {  	_ =	shalt  }
0x86: {  	_ =	shalt  }
0x87: {  	_ =	shalt  }
.Lfunc_end0:
.L_simem_size_0:
called_computation_lowered:
.L_overlay_start_0:
0x88: {  	s0 =	sld [smem:$0x3FD9]  }
0x89: {  	s1 =	sld [smem:$0x3FFE];
	_ =	sdelay $0x3  }
0x8a: {  	s0 =	sadd.s32 s1, s0  }
0x8b: {  	[smem:$0x3FC5] =	sst s0  }
0x8c: {  	_ = 	snop  }
0x8d: {  	(tm) =	ssettm $0x1  }
0x8e: {  	s15 =	sld [smem:$0x3FFB];
	_ =	sdelay $0x3  }
0x8f: {  	_ =	strace s15  }
0x90: {  	s0 =	sld [smem:$0x3FFC];
	_ =	sdelay $0x3  }
0x91: {  	_ =	strace s0  }
0x92: {  	s0 =	sld [smem:$0x3FFD];
	_ =	sdelay $0x3  }
0x93: {  	_ =	strace s0  }
0x94: {  	_ =	strace $0x8FFFFFFF  }
0x95: {  	s16 =	sld [smem:$0x3FDB];
	_ =	sdelay $0x1  }
0x96: {  	s17 =	simm.s32 $_scs_section_size  }
0x97: {  	s2 =	simm.s32 $_size__tile_overlayer_lowered;
	s3 =	simm.s32 $_tile_overlayer_lowered  }
0x98: {  	s20 =	simm.s32 $0x1BFF;
	s19 =	sshll.u32 s3, $0x1;
	s0 =	sadd.s32 s17, s16  }
0x99: {  	s4 =	simm.s32 $0x0;
	s18 =	sshll.u32 s2, $0x1;
	s2 =	sadd.s32 s19, s0  }
0x9a: {  	[timem:s4], [sflag:s20] =	dma.local [hbm:s2], s18  }
0x9b: {  	_ =	swait.ge [sflag:s20], s18  }
0x9c: {  	s1 =	ssub.s32 $0x0, s18;
	[sflag:s20] =	ssyncset.done $0x0  }
0x9d: {  	[sflag:s20] =	ssyncadd.s32 s1;
	_ =	sdelay $0x1  }
0x9e: {  	s21 =	simm.s32 $0x1B8B  }
0x9f: {  	_ =	swait.ge [sflag:s21], $0x1  }
0xa0: {  	[sflag:s21] =	ssyncset.done $0x0  }
0xa1: {  	s23 =	simm.s32 $0x1B8E;
	s22 =	sld [smem:$0x3FFE];
	[sflag:s21] =	ssyncadd.s32 $0xFFFFFFFF  }
0xa2: {  	s24 =	simm.s32 $execute0_lowered;
	[smem:$0x3FD2] =	sst s23  }
0xa3: {  	s2 =	sshll.u32 s24, $0x1;
	_ =	strace $0x80000046;
	[dreg:$0x1] =	wrdreg $0xFFFFFFFF  }
0xa4: {  	s25 =	simm.s32 $_size_execute0_lowered;
	s0 =	sadd.s32 s0, s2;
	[dreg:$0x0] =	wrdreg $0x0  }
0xa5: {  	s2 =	sshll.u32 s25, $0x1;
	[dreg:$0x2] =	wrdreg s0  }
0xa6: {  	[dreg:$0x3] =	wrdreg s2  }
0xa7: {  	[dreg:$0x4] =	wrdreg $0xC0  }
0xa8: {  	_ =	task [dreg:s4], $0x5FFFF  }
0xa9: {  	[dreg:$0x1] =	wrdreg $0xFFFFFFFF  }
0xaa: {  	[dreg:$0x0] =	wrdreg $0x60  }
0xab: {  	[dreg:$0x2] =	wrdreg s22  }
0xac: {  	[dreg:$0x3] =	wrdreg $0x103800  }
0xad: {  	[dreg:$0x4] =	wrdreg $0x103980  }
0xae: {  	[dreg:$0x5] =	wrdreg $0x9  }
0xaf: {  	_ =	task.clear_ibuf [dreg:s4], $0x6FFFF;
	_ =	strace $0x90000046  }
0xb0: {  	s26 =	simm.s32 $0x9;
	_ =	strace $0x8000004D  }
0xb1: {  	_ =	swait.ge [sflag:s26], $0x1  }
0xb2: {  	[sflag:s26] =	ssyncadd.s32 $0xFFFFFFFF  }
0xb3: {  	_ =	strace $0x9000004D  }
0xb4: {  	_ =	sfence  }
0xb5: {  	s28 =	sld [smem:$0x0];
	_ =	sdelay $0x1  }
0xb6: {  	s29 =	srdreg.scid  }
0xb7: {  	s30 =	sshll.u32 s29, $0xD;
	s31 =	sshrl.u32 s29, $0x2  }
0xb8: {  	s1 =	sand.u32 $0x1, s29;
	s2 =	sand.u32 $0x4000, s30;
	s0 =	sadd.s32 s31, s28  }
0xb9: {  	s1 =	sor.u32 s2, s1;
	s0 =	sshll.u32 s0, $0x11  }
0xba: {  	s0 =	sor.u32 s0, s1  }
0xbb: {  	s0 =	sadd.s32 $0x8F2B, s0  }
0xbc: {  	[sflag:s0] =	ssyncadd.remote.s32 $0x1  }
0xbd: {  	_ =	sfence.sel $0xFFFF  }
0xbe: {  	[dreg:$0x0] =	wrdreg $0xFFFFFFFF;
	(pc) =	sbr.abs _section_cstart, $3  }
0xbf: {  	[dreg:$0x1] =	wrdreg $0xFFFFFFFF  }
0xc0: {  	_ =	task.clear_ibuf [dreg:s4], $0x2FFFF;
	_ =	strace $0x9FFFFFFF  }
0xc1: {  	(tm) =	ssettm $0x7FFFFFFF  }
tec
execute0_lowered:
.L_overlay_start_1:
0x0: {  	(tag) =	ssettag $0x1  }
0x1: {  	s2 =	rddreg [dreg:$0x0]  }
0x2: {  	s4 =	rddreg [dreg:$0x1]  }
0x3: {  	s3 =	rddreg [dreg:$0x2]  }
0x4: {  	s0 =	rddreg [dreg:$0x3];
	_ =	strace $0x80000047;
	s5 =	simm.s32 $0x0  }
0x5: {  	s29 =	simm.s32 $0x1;
	s1 =	sadd.s32 $0x800, s2;
	_ =	strace $0x80000048  }
0x6: {  	[tilespmem:s5], [sflag:$0x1] =	stream.linear.gather [hbm4b:s1+s5], $0x7560, $0x200038;
	[tilespmem:$0x116B0] =	vst v63  }
0x7: {  	_ =	swait.ge [sflag:s29], $0x7560  }
0x8: {  	[sflag:s29] =	ssyncset.done $0x0  }
0x9: {  	[sflag:s29] =	ssyncadd.s32 $0xFFFF8AA0  }
0xa: {  	_ =	strace $0x90000048  }
0xb: {  	s6 =	simm.s32 $0x0;
	_ =	strace $0x80000049  }
0xc: {  	v0 =	vld [tilespmem:s6+$0x61D0];
	_ =	sdelay $0x3  }
0xd: {  	v2 =	vld [tilespmem:s6+$0x4E40]  }
0xe: {  	v0 =	vtrunc.f32 v0  }
0xf: {  	v1 =	vcvt.f32.s32 v0  }
0x10: {  	s1 =	stileid.u32  }
0x11: {  	v0 =	vmov s1;
	v3 =	vand.u32 $0xF, v1  }
0x12: {  	s7 =	simm.s32 $0x0;
	vm0 =	vge.f32 v2, $2.000000030e-01;
	v1 =	vlaneseq.u32;
	vm1 =	veq.s32 v3, v0  }
0x13: {  	v2 =	vor.u32 s7, v1;
	vm0 =	vmand vm0, vm1  }
0x14: {  	[tilespmem:s5+$0x7580] =	vst.msk vm0, v2;
	v2 =	vmpcnt.ones.xlane vm0  }
0x15: {  	v3 =	vld [tilespmem:s6+$0x61E0]  }
0x16: {  	(v2sf) =	vpush v2, $0x0;
	_ =	sdelay $0x2  }
0x17: {  	v2 =	vld [tilespmem:s6+$0x4E50]  }
0x18: {  	v3 =	vtrunc.f32 v3  }
0x19: {  	v3 =	vcvt.f32.s32 v3;
	_ =	sdelay $0x1  }
0x1a: {  	v3 =	vand.u32 $0xF, v3  }
0x1b: {  	vm0 =	vge.f32 v2, $2.000000030e-01;
	vm1 =	veq.s32 v3, v0  }
0x1c: {  	vm0 =	vmand vm0, vm1  }
0x1d: {  	v2 =	vmpcnt.ones.xlane vm0;
	_ =	sdelay $0x1  }
0x1e: {  	(v2sf) =	vpush v2, $0x0;
	_ =	sdelay $0x2  }
0x1f: {  	s30 =	simm.s32 $0x10;
	s31 =	spop (v2sf)  }
0x20: {  	v4 =	vor.u32 s30, v1;
	v3 =	vld [tilespmem:s6+$0x3AB0];
	s8 =	sadd.s32 $0x0, s31  }
0x21: {  	s5 =	simm.s32 $0x20;
	v2 =	vld [tilespmem:s6+$0x2720];
	[tilespmem:s8+$0x7580] =	vst.msk vm0, v4  }
0x22: {  	v4 =	vld [tilespmem:s5+$0x61D0];
	_ =	sdelay $0x1  }
0x23: {  	v5 =	vld [tilespmem:s6+$0x2730]  }
0x24: {  	v6 =	vld [tilespmem:s6+$0x3AC0]  }
0x25: {  	v7 =	vld [tilespmem:s5+$0x4E40]  }
0x26: {  	v8 =	vimm.f32 $0.0e+00;
	v4 =	vtrunc.f32 v4  }
0x27: {  	v2 =	vmax.f32 v8, v2;
	v4 =	vcvt.f32.s32 v4  }
0x28: {  	v2 =	vmax.f32 v2, v3  }
0x29: {  	s9 =	simm.s32 $0x20;
	s2 =	sadd.s32 $0x1800, s2;
	v2 =	vmax.f32 v2, v5;
	v3 =	vand.u32 $0xF, v4  }
0x2a: {  	s7 =	simm.s32 $0x100;
	s6 =	simm.s32 $0x30;
	vm0 =	vge.f32 v7, $2.000000030e-01;
	v2 =	vmax.f32 v2, v6;
	vm1 =	veq.s32 v3, v0;
	s10 =	spop (v2sf)  }
.LBB2_1:
0x2b: {  	p0 =	sne.s32 s7, $0x4D80  }
0x2c: {  	vm0 =	vmand vm0, vm1;
	v3 =	vor.u32 s9, v1;
	s8 =	sadd.s32 s8, s10;
	s9 =	smov.u32 s7;
	s7 =	sadd.s32 $0x80, s7  }
0x2d: {  	[tilespmem:s8+$0x7580] =	vst.msk vm0, v3;
	v3 =	vmpcnt.ones.xlane vm0  }
0x2e: {  	v4 =	vld [tilespmem:s5+$0x61E0]  }
0x2f: {  	v5 =	vld [tilespmem:s5+$0x4E50];
	(v2sf) =	vpush v3, $0x0  }
0x30: {  	v3 =	vld [tilespmem:s5+$0x2720];
	_ =	sdelay $0x2  }
0x31: {  	v4 =	vtrunc.f32 v4  }
0x32: {  	v4 =	vcvt.f32.s32 v4;
	_ =	sdelay $0x1  }
0x33: {  	v4 =	vand.u32 $0xF, v4  }
0x34: {  	vm0 =	vge.f32 v5, $2.000000030e-01;
	vm1 =	veq.s32 v4, v0  }
0x35: {  	vm0 =	vmand vm0, vm1  }
0x36: {  	v4 =	vmpcnt.ones.xlane vm0;
	_ =	sdelay $0x1  }
0x37: {  	(v2sf) =	vpush v4, $0x0;
	_ =	sdelay $0x2  }
0x38: {  	s10 =	spop (v2sf)  }
0x39: {  	v5 =	vor.u32 s6, v1;
	s8 =	sadd.s32 s8, s10;
	v4 =	vld [tilespmem:s5+$0x3AB0]  }
0x3a: {  	s9 =	sshra.s32 s9, $0x2;
	[tilespmem:s8+$0x7580] =	vst.msk vm0, v5  }
0x3b: {  	v5 =	vld [tilespmem:s9+$0x61D0]  }
0x3c: {  	v6 =	vld [tilespmem:s5+$0x2730]  }
0x3d: {  	v7 =	vld [tilespmem:s5+$0x3AC0];
	s5 =	smov.u32 s9;
	_ =	sdelay $0x1  }
0x3e: {  	v2 =	vmax.f32 v2, v3;
	v8 =	vld [tilespmem:s5+$0x4E40]  }
.Ltmp0:
0x3f: {  	v2 =	vmax.f32 v2, v4;
	v3 =	vtrunc.f32 v5;
	(pc) =	sbr.rel @p0 .LBB2_1-.Ltmp0, $4  }
0x40: {  	v3 =	vcvt.f32.s32 v3;
	v2 =	vmax.f32 v2, v6  }
0x41: {  	v2 =	vmax.f32 v2, v7  }
0x42: {  	s6 =	sadd.s32 $0x20, s6;
	v3 =	vand.u32 $0xF, v3  }
0x43: {  	s9 =	sadd.s32 $0xFFFFFFF0, s6;
	vm0 =	vge.f32 v8, $2.000000030e-01;
	vm1 =	veq.s32 v3, v0;
	s10 =	spop (v2sf)  }
0x44: {  	vm0 =	vmand vm0, vm1;
	v3 =	vor.u32 s9, v1;
	s7 =	sadd.s32 s8, s10  }
0x45: {  	[tilespmem:s7+$0x7580] =	vst.msk vm0, v3  }
0x46: {  	v3 =	vld [tilespmem:s5+$0x61E0];
	_ =	sdelay $0x3  }
0x47: {  	v4 =	vld [tilespmem:s5+$0x4E50]  }
0x48: {  	v3 =	vtrunc.f32 v3  }
0x49: {  	v3 =	vcvt.f32.s32 v3;
	_ =	sdelay $0x1  }
0x4a: {  	v5 =	vmpcnt.ones.xlane vm0;
	v3 =	vand.u32 $0xF, v3  }
0x4b: {  	vm0 =	vge.f32 v4, $2.000000030e-01;
	vm1 =	veq.s32 v3, v0  }
0x4c: {  	(v2sf) =	vpush v5, $0x0;
	vm0 =	vmand vm0, vm1  }
0x4d: {  	v3 =	vmpcnt.ones.xlane vm0;
	_ =	sdelay $0x1  }
0x4e: {  	(v2sf) =	vpush v3, $0x0;
	_ =	sdelay $0xb  }
0x4f: {  	s24 =	spop (v2sf)  }
0x50: {  	v1 =	vor.u32 s6, v1;
	v4 =	vld [tilespmem:s5+$0x3AB0];
	s7 =	sadd.s32 s7, s24  }
0x51: {  	v3 =	vld [tilespmem:s5+$0x2720];
	[tilespmem:s7+$0x7580] =	vst.msk vm0, v1  }
0x52: {  	v1 =	vld [tilespmem:s5+$0x2730];
	s25 =	spop (v2sf)  }
0x53: {  	v5 =	vld [tilespmem:s5+$0x3AC0];
	_ =	strace $0x90000049  }
0x54: {  	v6 =	vld [tilespmem:$0x7550];
	_ =	sdelay $0x3  }
0x55: {  	v7 =	vld [tilespmem:$0x61C0]  }
0x56: {  	v6 =	vtrunc.f32 v6  }
0x57: {  	v6 =	vcvt.f32.s32 v6;
	_ =	sdelay $0x1  }
0x58: {  	v6 =	vand.u32 $0xF, v6  }
0x59: {  	vm0 =	vge.f32 v7, $2.000000030e-01;
	vm1 =	veq.s32 v6, v0;
	v0 =	vlaneseq.u32  }
0x5a: {  	s5 =	sadd.s32 s7, s25;
	vm0 =	vmand vm0, vm1;
	v63 =	vor.u32 $0x1380, v0  }
0x5b: {  	[tilespmem:s5+$0x7580] =	vst.msk vm0, v63  }
0x5c: {  	v6 =	vld [tilespmem:$0x3AA0]  }
0x5d: {  	v2 =	vmax.f32 v2, v3;
	v3 =	vld [tilespmem:$0x4E30]  }
0x5e: {  	v2 =	vmax.f32 v2, v4  }
0x5f: {  	v1 =	vmax.f32 v2, v1  }
0x60: {  	v1 =	vmax.f32 v1, v5;
	v2 =	vmpcnt.ones.xlane vm0  }
0x61: {  	v1 =	vmax.f32 v1, v6  }
0x62: {  	(v2sf) =	vpush v2, $0x0;
	v1 =	vmax.f32 v1, v3  }
0x63: {  	(xrf0) =	vmax.scan.msk.f32 $0xffff, v1;
	_ =	sdelay $0x5  }
0x64: {  	v1, _, _ =	vpop (xrf0)  }
0x65: {  	(v2sf) =	vpush v1, $0xF;
	_ =	sdelay $0x6  }
0x66: {  	s26 =	spop (v2sf)  }
0x67: {  	s6 =	sadd.s32 s5, s26  }
0x68: {  	s5 =	sadd.s32 $0xF, s6  }
0x69: {  	s28 =	sand.u32 $0xF, s5  }
0x6a: {  	s29 =	sshra.s32 s5, $0x1F;
	p0 =	slt.s32 s5, $0x1;
	p1 =	sne.s32 s28, $0x0  }
.Ltmp1:
0x6b: {  	s30 =	sshrl.u32 s29, $0x1C;
	p0 =	por !p0, !p1;
	(pc) =	sbr.rel .LBB2_3-.Ltmp1, $4  }
0x6c: {  	s7 =	simm.s32 $0x1;
	s5 =	sadd.s32 s30, s5;
	p0 =	por !p0, !p0  }
0x6d: {  	s8 =	simm.s32 $0x0;
	s5 =	sshra.s32 s5, $0x4;
	s7 =	simm.s32 @!p0 $0x0  }
0x6e: {  	vm0 =	vmxor vm0, vm0;
	s5 =	ssub.s32 s5, s7;
	s7 =	simm.s32 $0x0;
	s31 =	spop (v2sf)  }
0x6f: {  	v2 =	vimm.s32 $0x40000000;
	v3 =	vimm.f32 $-1.000000020e+30;
	v1 =	vmov s6;
	p0 =	slt.s32 s5, $0x1;
	_ =	strace $0x8000004A;
	s6 =	sadd.f32 $1.000000000e+00, s31  }
.LBB2_24:
0x70: {  	s8 =	sadd.s32 $0x1, s8  }
0x71: {  	p1 =	sne.s32 s8, $0x5  }
.Ltmp2:
0x72: {  	_ = 	snop;
	(pc) =	sbr.rel @!p1 .LBB2_25-.Ltmp2, $3  }
0x73: {  	_ =	sdelay $0x1  }
0x74: {  	[tilespmem:s9+$0x10180] =	vst v5  }
0x75: {  	[tilespmem:s9+$0x10200] =	vst v6  }
.LBB2_3:
.Ltmp3:
0x76: {  	(pc) =	sbr.rel @p0 .LBB2_10-.Ltmp3, $4  }
0x77: {  	_ = 	snop  }
0x78: {  	s9 =	sshll.u32 s8, $0x4  }
0x79: {  	s10 =	sor.u32 s1, s9  }
0x7a: {  	s12 =	simm.s32 $0x0;
	s11 =	scvt.s32.f32 s10  }
0x7b: {  	p2 =	sne.s32 s5, $0x1  }
.Ltmp4:
0x7c: {  	_ = 	snop;
	(pc) =	sbr.rel @!p2 .LBB2_5-.Ltmp4, $3  }
0x7d: {  	_ =	sdelay $0x1  }
0x7e: {  	s12 =	simm.s32 $0x7580  }
0x7f: {  	s10 =	simm.s32 $0x0;
	p1 =	por $0x0, $0x0;
	v4 =	vmov s11;
	v5 =	vld [tilespmem:s12+$0x0];
	s12 =	sadd.s32 $0xFFFFFFFF, s5  }
0x80: {  	_ =	sdelay $0x1  }
0x81: {  	v6 =	vor.u32 s10, v0  }
0x82: {  	vm1 =	vlt.s32 v6, v1  }
0x83: {  	v6 =	vadd.s32 $0x61D0, v5;
	_ =	sdelay $0x4  }
0x84: {  	v6 =	vld.idx.msk [tilespmem:v6+s7+$0x0], vm1;
	_ =	sdelay $0x2  }
0x85: {  	p2 =	sne.s32 s12, $0x1  }
.Ltmp5:
0x86: {  	_ = 	snop;
	(pc) =	sbr.rel @!p2 .LBB2_7-.Ltmp5, $4  }
0x87: {  	vm2 =	veq.f32 v6, v4  }
0x88: {  	vm1 =	vmand vm1, vm2  }
0x89: {  	s14 =	simm.s32 $0x7590;
	s15 =	sadd.s32 $0xFFFFFFFF, s12;
	[tilespmem:s10+$0x9D80] =	vst.msk vm1, v5;
	v6 =	vmpcnt.ones.xlane vm1  }
0x8a: {  	p1 =	por $0x1, $0x1;
	s13 =	simm.s32 $0x0;
	s12 =	simm.s32 $0x0;
	v5 =	vld [tilespmem:s14+$0x0]  }
.LBB2_8:
0x8b: {  	p2 =	sne.s32 s15, $0x1;
	(v2sf) =	vpush v6, $0x0  }
0x8c: {  	s13 =	sadd.s32 $0x10, s13  }
0x8d: {  	v6 =	vor.u32 s13, v0  }
0x8e: {  	vm1 =	vlt.s32 v6, v1  }
0x8f: {  	v6 =	vadd.s32 $0x61D0, v5;
	_ =	sdelay $0x4  }
0x90: {  	v6 =	vld.idx.msk [tilespmem:v6+s7+$0x0], vm1;
	_ =	sdelay $0x4  }
.Ltmp6:
0x91: {  	(pc) =	sbr.rel @p2 .LBB2_8-.Ltmp6, $4  }
0x92: {  	vm2 =	veq.f32 v6, v4;
	s16 =	spop (v2sf)  }
0x93: {  	vm1 =	vmand vm1, vm2;
	s12 =	sadd.s32 s12, s16  }
0x94: {  	s14 =	sadd.s32 $0x10, s14;
	v6 =	vmpcnt.ones.xlane vm1;
	[tilespmem:s12+$0x9D80] =	vst.msk vm1, v5  }
0x95: {  	s15 =	sadd.s32 $0xFFFFFFFF, s15;
	v5 =	vld [tilespmem:s14+$0x0]  }
.LBB2_9:
0x96: {  	s13 =	sadd.s32 @p1 $0x10, s13;
	s14 =	simm.s32 $0x0  }
0x97: {  	s14 =	smov.u32 @p1 s13  }
0x98: {  	v7 =	vor.u32 s14, v0  }
0x99: {  	vm1 =	vlt.s32 v7, v1  }
0x9a: {  	v63 =	vadd.s32 $0x61D0, v5;
	_ =	sdelay $0x4  }
0x9b: {  	v7 =	vld.idx.msk [tilespmem:v63+s7+$0x0], vm1;
	_ =	sdelay $0x4  }
0x9c: {  	vm2 =	veq.f32 v7, v4  }
0x9d: {  	vm1 =	vmand vm1, vm2  }
0x9e: {  	(v2sf) =	vpush @p1 v6, $0x0;
	v4 =	vmpcnt.ones.xlane vm1;
	_ =	sdelay $0x1  }
0x9f: {  	(v2sf) =	vpush v4, $0x0;
	_ =	sdelay $0xc  }
0xa0: {  	s13 =	spop @p1 (v2sf)  }
0xa1: {  	s12 =	sadd.s32 @p1 s12, s13  }
0xa2: {  	s10 =	smov.u32 @p1 s12;
	s31 =	spop (v2sf)  }
0xa3: {  	[tilespmem:s10+$0x9D80] =	vst.msk vm1, v5;
	s12 =	sadd.s32 s10, s31  }
.LBB2_10:
0xa4: {  	s10 =	sadd.s32 $0xF, s12  }
0xa5: {  	s13 =	sand.u32 $0xF, s10  }
0xa6: {  	s14 =	sshra.s32 s10, $0x1F;
	p1 =	slt.s32 s10, $0x1;
	p2 =	sne.s32 s13, $0x0  }
0xa7: {  	s31 =	sshrl.u32 s14, $0x1C;
	p1 =	por !p1, !p2  }
0xa8: {  	s13 =	simm.s32 $0x1;
	s10 =	sadd.s32 s31, s10;
	p1 =	por !p1, !p1  }
0xa9: {  	s10 =	sshra.s32 s10, $0x4;
	s13 =	simm.s32 @!p1 $0x0  }
0xaa: {  	s10 =	ssub.s32 s10, s13  }
0xab: {  	p1 =	sgt.s32 s10, $0x0  }
.Ltmp7:
0xac: {  	_ = 	snop;
	(pc) =	sbr.rel @!p1 .LBB2_11-.Ltmp7, $2  }
0xad: {  	_ =	sdelay $0x2  }
0xae: {  	v4 =	vmov s12  }
0xaf: {  	s14 =	smul.f32 s11, s6;
	s11 =	simm.s32 $0x9D80  }
0xb0: {  	v8 =	vld [tilespmem:s11+$0x0];
	_ =	sdelay $0x1  }
0xb1: {  	s17 =	simm.s32 $0x0  }
0xb2: {  	v4 =	vmov s12;
	v9 =	vor.u32 s17, v0  }
0xb3: {  	vm1 =	vlt.s32 v9, v4  }
0xb4: {  	v10 =	vadd.s32 $0x4E40, v8;
	_ =	sdelay $0x4  }
0xb5: {  	v10 =	vld.idx.msk [tilespmem:v10+s7+$0x0], vm1;
	_ =	sdelay $0x3  }
0xb6: {  	s12 =	simm.s32 $0x8980  }
0xb7: {  	[tilespmem:s12+$0x0] =	vst v10  }
0xb8: {  	v11 =	vld.idx.msk [tilespmem:v8+s7+$0x0], vm1;
	_ =	sdelay $0x2  }
0xb9: {  	v12 =	vadd.s32 $0x1390, v8  }
0xba: {  	v5 =	vmov s14  }
0xbb: {  	v11 =	vadd.f32 v11, v5  }
0xbc: {  	s13 =	simm.s32 $0xB180  }
0xbd: {  	[tilespmem:s13+$0x0] =	vst v11  }
0xbe: {  	v11 =	vld.idx.msk [tilespmem:v12+s7+$0x0], vm1;
	_ =	sdelay $0x2  }
0xbf: {  	v12 =	vadd.s32 $0x2720, v8;
	_ =	sdelay $0x1  }
0xc0: {  	v11 =	vadd.f32 v11, v5  }
0xc1: {  	s16 =	simm.s32 $0xC580  }
0xc2: {  	[tilespmem:s16+$0x0] =	vst v11  }
0xc3: {  	v11 =	vld.idx.msk [tilespmem:v12+s7+$0x0], vm1;
	_ =	sdelay $0x2  }
0xc4: {  	v8 =	vadd.s32 $0x3AB0, v8;
	_ =	sdelay $0x1  }
0xc5: {  	v11 =	vadd.f32 v11, v5  }
0xc6: {  	s15 =	simm.s32 $0xD980  }
0xc7: {  	[tilespmem:s15+$0x0] =	vst v11  }
0xc8: {  	v8 =	vld.idx.msk [tilespmem:v8+s7+$0x0], vm1  }
0xc9: {  	p1 =	seq.s32 s10, $0x1  }
.Ltmp8:
0xca: {  	_ = 	snop;
	(pc) =	sbr.rel @p1 .LBB2_18-.Ltmp8, $4  }
0xcb: {  	v7 =	vimm.f32 $-1.000000020e+30;
	v10 =	vnsel vm1, $0xF149F2CA, v10  }
0xcc: {  	v6 =	vimm.s32 $0x40000000;
	vm1 =	vgt.f32 v10, v7  }
0xcd: {  	s18 =	simm.s32 $0xD990;
	s19 =	simm.s32 $0xED90;
	s17 =	simm.s32 $0xC590;
	v12 =	vsel vm1, v9, v6;
	v6 =	vadd.f32 v8, v5  }
0xce: {  	s14 =	simm.s32 $0xED80;
	s16 =	simm.s32 $0x10;
	s15 =	sadd.s32 $0xFFFFFFFF, s10;
	v11 =	vsel vm1, v10, v7  }
.LBB2_17:
0xcf: {  	[tilespmem:s14+$0x0] =	vst v6;
	s11 =	sadd.s32 $0x10, s11;
	s12 =	sadd.s32 $0x10, s12;
	s13 =	sadd.s32 $0x10, s13  }
0xd0: {  	p1 =	seq.s32 s15, $0x1;
	s15 =	sadd.s32 $0xFFFFFFFF, s15;
	s14 =	smov.u32 s19;
	v6 =	vld [tilespmem:s11+$0x0]  }
0xd1: {  	_ =	sdelay $0x1  }
0xd2: {  	v7 =	vor.u32 s16, v0  }
0xd3: {  	vm1 =	vlt.s32 v7, v4  }
0xd4: {  	v8 =	vadd.s32 $0x4E40, v6;
	_ =	sdelay $0x4  }
0xd5: {  	v8 =	vld.idx.msk [tilespmem:v8+s7+$0x0], vm1;
	_ =	sdelay $0x5  }
0xd6: {  	[tilespmem:s12+$0x0] =	vst v8;
	v8 =	vnsel vm1, $0xF149F2CA, v8  }
0xd7: {  	v9 =	vld.idx.msk [tilespmem:v6+s7+$0x0], vm1;
	vm2 =	vgt.f32 v8, v11  }
0xd8: {  	v11 =	vsel vm2, v8, v11;
	v12 =	vsel vm2, v7, v12;
	_ =	sdelay $0x2  }
0xd9: {  	v7 =	vadd.s32 $0x1390, v6;
	_ =	sdelay $0x1  }
0xda: {  	v8 =	vadd.f32 v9, v5;
	_ =	sdelay $0x1  }
0xdb: {  	[tilespmem:s13+$0x0] =	vst v8  }
0xdc: {  	v7 =	vld.idx.msk [tilespmem:v7+s7+$0x0], vm1;
	_ =	sdelay $0x3  }
0xdd: {  	v8 =	vadd.s32 $0x2720, v6;
	_ =	sdelay $0x1  }
0xde: {  	v7 =	vadd.f32 v7, v5;
	_ =	sdelay $0x1  }
0xdf: {  	[tilespmem:s17+$0x0] =	vst v7  }
0xe0: {  	v7 =	vld.idx.msk [tilespmem:v8+s7+$0x0], vm1;
	_ =	sdelay $0x3  }
0xe1: {  	v6 =	vadd.s32 $0x3AB0, v6;
	_ =	sdelay $0x1  }
0xe2: {  	v7 =	vadd.f32 v7, v5;
	_ =	sdelay $0x1  }
0xe3: {  	[tilespmem:s18+$0x0] =	vst v7  }
0xe4: {  	v6 =	vld.idx.msk [tilespmem:v6+s7+$0x0], vm1;
	_ =	sdelay $0x2  }
.Ltmp9:
0xe5: {  	(pc) =	sbr.rel @!p1 .LBB2_17-.Ltmp9, $3  }
0xe6: {  	_ =	sdelay $0x1  }
0xe7: {  	s16 =	sadd.s32 $0x10, s16;
	v6 =	vadd.f32 v6, v5  }
0xe8: {  	s19 =	sadd.s32 $0x10, s19;
	s17 =	sadd.s32 $0x10, s17;
	s18 =	sadd.s32 $0x10, s18  }
.LBB2_18:
.Ltmp10:
0xe9: {  	(pc) =	sbr.rel .LBB2_12-.Ltmp10, $2  }
0xea: {  	_ =	sdelay $0x2  }
0xeb: {  	[tilespmem:s14+$0x0] =	vst v6  }
.LBB2_11:
0xec: {  	v12 =	vimm.s32 $0x40000000;
	v11 =	vimm.f32 $-1.000000020e+30  }
.LBB2_12:
.Ltmp11:
0xed: {  	(pc) =	sbr.rel .LBB2_13-.Ltmp11, $3  }
0xee: {  	_ =	sdelay $0x1  }
0xef: {  	v5 =	vimm.f32 $-1.000000020e+30;
	p1 =	slt.s32 s10, $0x1  }
0xf0: {  	s11 =	simm.s32 $0x0;
	v6 =	vimm.s32 $0x0;
	v7 =	vpsel p1, $0xF149F2CA, v3;
	v8 =	vpsel p1, $0x40000000, v2  }
.LBB2_15:
0xf1: {  	s19 =	simm.s32 $0xC580;
	s17 =	simm.s32 $0x8980;
	s16 =	simm.s32 $0x0  }
.LBB2_22:
0xf2: {  	s18 =	sadd.s32 @p3 $0x10, s19  }
0xf3: {  	v20 =	vld [tilespmem:s15+$0x0];
	s14 =	smov.u32 @p3 s18  }
0xf4: {  	v21 =	vld [tilespmem:s14+$0x0];
	_ =	sdelay $0x3  }
0xf5: {  	v14 =	vmin.f32 v14, v18;
	v15 =	vmax.f32 v15, v19;
	v61 =	vsub.f32 v18, v19  }
0xf6: {  	v16 =	vmin.f32 v16, v20;
	v17 =	vmax.f32 v17, v21;
	v62 =	vsub.f32 v20, v21  }
0xf7: {  	v14 =	vsub.f32 v14, v15;
	v15 =	vsub.f32 v16, v17  }
0xf8: {  	v63 =	vmul.f32 v62, v61  }
0xf9: {  	v14 =	vmax.f32 v14, $0.0e+00;
	v15 =	vmax.f32 v15, $0.0e+00  }
0xfa: {  	v14 =	vmul.f32 v15, v14;
	v13 =	vadd.f32 v63, v13;
	_ =	sdelay $0x1  }
0xfb: {  	v13 =	vsub.f32 v13, v14;
	_ =	sdelay $0x1  }
0xfc: {  	v13 =	vmax.f32 v13, $9.999999710e-10  }
0xfd: {  	(erf) = vrcp.f32 v13;
	_ =	sdelay $0x5  }
0xfe: {  	s14 =	sadd.s32 @p3 $0x10, s17  }
0xff: {  	s12 =	smov.u32 @p3 s14  }
0x100: {  	v13 =	vld [tilespmem:s12+$0x0]  }
0x101: {  	v15 =	vpop (erf)  }
0x102: {  	s14 =	sadd.s32 @p3 $0x10, s16;
	v14 =	vmul.f32 v15, v14  }
0x103: {  	s13 =	smov.u32 @p3 s14  }
0x104: {  	vm1 =	vgt.f32 v14, $5.000000000e-01;
	v14 =	vor.u32 s13, v0  }
0x105: {  	v13 =	vsel vm1, $0xF149F2CA, v13;
	vm1 =	vlt.s32 v14, v4  }
0x106: {  	v15 =	vnsel vm1, $0xF149F2CA, v13  }
0x107: {  	vm1 =	vgt.f32 v15, v11  }
0x108: {  	[tilespmem:s12+$0x0] =	vst v13;
	v11 =	vsel vm1, v15, v11;
	v12 =	vsel vm1, v14, v12  }
.LBB2_23:
0x109: {  	v13 =	vmov s11;
	vm1 =	vmmov vm0;
	s11 =	sadd.s32 $0x1, s11  }
0x10a: {  	vm1 =	vmneg @p2 vm1;
	p2 =	sne.s32 s11, $0xF  }
.Ltmp12:
0x10b: {  	_ = 	snop;
	(pc) =	sbr.rel @!p2 .LBB2_24-.Ltmp12, $4  }
0x10c: {  	_ = 	snop  }
0x10d: {  	vm2 =	veq.s32 v13, v0  }
0x10e: {  	vm1 =	vmand vm2, vm1  }
0x10f: {  	v5 =	vsel vm1, v9, v5;
	v6 =	vsel vm1, v10, v6  }
.LBB2_13:
0x110: {  	(xrf0) =	vmax.scan.msk.f32 $0xffff, v11;
	_ =	sdelay $0x5  }
0x111: {  	v9, _, _ =	vpop (xrf0)  }
0x112: {  	v10 =	vbroadcast v9, $0xF;
	_ =	sdelay $0x1  }
0x113: {  	vm1 =	veq.f32 v11, v10;
	v10 =	vxor.u32 $0x80000000, v12  }
0x114: {  	v10 =	vnsel vm1, $0xC0000000, v10  }
0x115: {  	(xrf0) =	vmin.scan.msk.u32 $0xffff, v10;
	_ =	sdelay $0x3  }
0x116: {  	(v2sf) =	vpush v9, $0xF;
	_ =	sdelay $0x1  }
0x117: {  	v9, _, _ =	vpop (xrf0)  }
0x118: {  	(v2sf) =	vpush v9, $0xF;
	_ =	sdelay $0xb  }
0x119: {  	s13 =	spop (v2sf)  }
0x11a: {  	p3 =	sge.f32 @!p1 s13, $0.0e+00;
	_ =	sdelay $0x1  }
0x11b: {  	p3 =	por p1, !p3;
	s12 =	spop (v2sf)  }
.Ltmp13:
0x11c: {  	p2 =	sge.f32 s13, $0.0e+00;
	s12 =	sxor.u32 $0x80000000, s12;
	(pc) =	sbr.rel @p3 .LBB2_23-.Ltmp13, $4  }
0x11d: {  	s14 =	smov.u32 s12  }
0x11e: {  	s14 =	simm.s32 @!p2 $0x0  }
0x11f: {  	v9 =	vld.msk [tilespmem:s14+$0x8980 ss:$0x0], $0xffff  }
0x120: {  	v11 =	vmov v7;
	v12 =	vmov v8;
	v10 =	vld.msk [tilespmem:s14+$0x9D80 ss:$0x0], $0xffff  }
0x121: {  	v11 =	vld [tilespmem:s12+$0xD980]  }
0x122: {  	v12 =	vld [tilespmem:s12+$0xB180]  }
0x123: {  	v13 =	vld [tilespmem:s12+$0xED80]  }
0x124: {  	v17 =	vld [tilespmem:s12+$0xC580];
	_ =	sdelay $0x1  }
0x125: {  	(v2sf) =	vpush v11, $0x0  }
0x126: {  	(v2sf) =	vpush v12, $0x0  }
0x127: {  	(v2sf) =	vpush v13, $0x0  }
0x128: {  	(v2sf) =	vpush v17, $0x0;
	_ =	sdelay $0xb  }
0x129: {  	s30 =	spop (v2sf)  }
0x12a: {  	s13 =	spop (v2sf)  }
0x12b: {  	s14 =	spop (v2sf)  }
0x12c: {  	p4 =	sne.s32 s10, $0x1;
	s12 =	ssub.f32 s30, s13;
	s31 =	spop (v2sf)  }
.Ltmp14:
0x12d: {  	s13 =	ssub.f32 s14, s31;
	(pc) =	sbr.rel @!p4 .LBB2_15-.Ltmp14, $4  }
0x12e: {  	_ = 	snop  }
0x12f: {  	s16 =	simm.s32 $0xB180;
	s17 =	simm.s32 $0xD980;
	v14 =	vbroadcast v11, $0x0;
	s13 =	smul.f32 s13, s12  }
0x130: {  	s15 =	simm.s32 $0xED80;
	p3 =	por $0x0, $0x0;
	v19 =	vld [tilespmem:s16+$0x0];
	s16 =	sadd.s32 $0xFFFFFFFF, s10;
	v15 =	vbroadcast v12, $0x0;
	v16 =	vbroadcast v13, $0x0;
	v11 =	vimm.f32 $-1.000000020e+30  }
0x131: {  	v18 =	vld [tilespmem:s17+$0x0];
	v12 =	vimm.s32 $0x40000000;
	v17 =	vbroadcast v17, $0x0;
	s14 =	simm.s32 $0xC580;
	s12 =	simm.s32 $0x8980;
	v13 =	vmov s13;
	s13 =	simm.s32 $0x0  }
0x132: {  	v20 =	vld [tilespmem:s15+$0x0]  }
0x133: {  	v21 =	vld [tilespmem:s14+$0x0];
	_ =	sdelay $0x3  }
0x134: {  	v23 =	vmax.f32 v15, v19;
	v22 =	vmin.f32 v14, v18;
	v18 =	vsub.f32 v18, v19  }
0x135: {  	v19 =	vmin.f32 v16, v20;
	v24 =	vmax.f32 v17, v21;
	v20 =	vsub.f32 v20, v21  }
0x136: {  	v62 =	vsub.f32 v22, v23;
	v19 =	vsub.f32 v19, v24  }
0x137: {  	v18 =	vmul.f32 v20, v18  }
0x138: {  	v20 =	vmax.f32 v62, $0.0e+00;
	v19 =	vmax.f32 v19, $0.0e+00  }
0x139: {  	v19 =	vmul.f32 v19, v20;
	v18 =	vadd.f32 v18, v13;
	_ =	sdelay $0x1  }
0x13a: {  	v18 =	vsub.f32 v18, v19;
	_ =	sdelay $0x1  }
0x13b: {  	v18 =	vmax.f32 v18, $9.999999710e-10  }
0x13c: {  	(erf) = vrcp.f32 v18;
	_ =	sdelay $0x7  }
0x13d: {  	v18 =	vld [tilespmem:s12+$0x0]  }
0x13e: {  	v20 =	vpop (erf)  }
0x13f: {  	v19 =	vmul.f32 v20, v19  }
0x140: {  	p4 =	sne.s32 s16, $0x1  }
.Ltmp15:
0x141: {  	v20 =	vor.u32 s13, v0;
	vm1 =	vgt.f32 v19, $5.000000000e-01;
	(pc) =	sbr.rel @!p4 .LBB2_20-.Ltmp15, $4  }
0x142: {  	v18 =	vsel vm1, $0xF149F2CA, v18;
	vm1 =	vlt.s32 v20, v4  }
0x143: {  	s18 =	simm.s32 $0xD990;
	s20 =	simm.s32 $0xB190;
	[tilespmem:s12+$0x0] =	vst v18;
	v63 =	vnsel vm1, $0xF149F2CA, v18  }
0x144: {  	s21 =	sadd.s32 $0xFFFFFFFF, s16;
	s15 =	simm.s32 $0xED90;
	p3 =	por $0x1, $0x1;
	v18 =	vld [tilespmem:s18+$0x0];
	vm1 =	vgt.f32 v63, v11  }
0x145: {  	s19 =	simm.s32 $0xC580;
	s17 =	simm.s32 $0x8980;
	s16 =	simm.s32 $0x0;
	v19 =	vld [tilespmem:s20+$0x0];
	v11 =	vsel vm1, v63, v11;
	v12 =	vsel vm1, v20, v12  }
.LBB2_21:
0x146: {  	p4 =	sne.s32 s21, $0x1;
	v20 =	vld [tilespmem:s15+$0x0];
	s19 =	sadd.s32 $0x10, s19  }
0x147: {  	v21 =	vld [tilespmem:s19+$0x0];
	_ =	sdelay $0x3  }
0x148: {  	v22 =	vmin.f32 v14, v18;
	v23 =	vmax.f32 v15, v19;
	v18 =	vsub.f32 v18, v19  }
0x149: {  	v19 =	vmin.f32 v16, v20;
	v24 =	vmax.f32 v17, v21;
	v20 =	vsub.f32 v20, v21  }
0x14a: {  	v21 =	vsub.f32 v22, v23;
	v19 =	vsub.f32 v19, v24  }
0x14b: {  	v18 =	vmul.f32 v20, v18  }
0x14c: {  	v20 =	vmax.f32 v21, $0.0e+00;
	v19 =	vmax.f32 v19, $0.0e+00  }
0x14d: {  	v19 =	vmul.f32 v19, v20;
	v18 =	vadd.f32 v18, v13;
	_ =	sdelay $0x1  }
0x14e: {  	v18 =	vsub.f32 v18, v19;
	_ =	sdelay $0x1  }
0x14f: {  	v18 =	vmax.f32 v18, $9.999999710e-10  }
0x150: {  	(erf) = vrcp.f32 v18;
	_ =	sdelay $0x6  }
0x151: {  	s17 =	sadd.s32 $0x10, s17  }
0x152: {  	v18 =	vld [tilespmem:s17+$0x0]  }
0x153: {  	v20 =	vpop (erf)  }
0x154: {  	v19 =	vmul.f32 v20, v19  }
0x155: {  	s16 =	sadd.s32 $0x10, s16  }
.Ltmp16:
0x156: {  	v20 =	vor.u32 s16, v0;
	vm1 =	vgt.f32 v19, $5.000000000e-01;
	(pc) =	sbr.rel @p4 .LBB2_21-.Ltmp16, $4  }
0x157: {  	v18 =	vsel vm1, $0xF149F2CA, v18;
	vm1 =	vlt.s32 v20, v4  }
0x158: {  	s18 =	sadd.s32 $0x10, s18;
	[tilespmem:s17+$0x0] =	vst v18;
	v21 =	vnsel vm1, $0xF149F2CA, v18  }
0x159: {  	s20 =	sadd.s32 $0x10, s20;
	v18 =	vld [tilespmem:s18+$0x0];
	vm1 =	vgt.f32 v21, v11  }
0x15a: {  	s21 =	sadd.s32 $0xFFFFFFFF, s21;
	s15 =	sadd.s32 $0x10, s15;
	v19 =	vld [tilespmem:s20+$0x0];
	v11 =	vsel vm1, v21, v11;
	v12 =	vsel vm1, v20, v12  }
.Ltmp17:
0x15b: {  	_ = 	snop;
	(pc) =	sbr.rel .LBB2_22-.Ltmp17, $1  }
0x15c: {  	_ =	sdelay $0x3  }
.LBB2_20:
.Ltmp18:
0x15d: {  	(pc) =	sbr.rel .LBB2_22-.Ltmp18, $2  }
0x15e: {  	_ =	sdelay $0x2  }
0x15f: {  	s19 =	simm.s32 $0xC580;
	s17 =	simm.s32 $0x8980;
	s16 =	simm.s32 $0x0  }
.LBB2_5:
.Ltmp19:
0x160: {  	(pc) =	sbr.rel .LBB2_9-.Ltmp19, $2  }
0x161: {  	_ =	sdelay $0x2  }
0x162: {  	s13 =	simm.s32 $0x0;
	s12 =	simm.s32 $0x0  }
.LBB2_7:
.Ltmp20:
0x163: {  	(pc) =	sbr.rel .LBB2_9-.Ltmp20, $2  }
0x164: {  	_ =	sdelay $0x2  }
0x165: {  	s13 =	simm.s32 $0x0;
	s12 =	simm.s32 $0x0  }
.LBB2_25:
0x166: {  	_ =	strace $0x9000004A  }
0x167: {  	_ =	strace $0x8000004B  }
0x168: {  	v0 =	vld [tilespmem:$0x10180]  }
0x169: {  	v1 =	vld [tilespmem:$0x10200];
	_ =	sdelay $0x2  }
0x16a: {  	p0 =	seq.s32 s1, $0x1;
	v2 =	vld [tilespmem:$0x10210]  }
0x16b: {  	v3 =	vld [tilespmem:$0x10190];
	v0 =	vpsel p0, $0xF149F2CA, v0  }
0x16c: {  	vm2 =	vlt.s32 v1, $0x40000000;
	vm1 =	veq.f32 v0, $-1.000000020e+30  }
0x16d: {  	vm3 =	vgt.f32 v0, $-1.000000020e+30;
	vm1 =	vmand vm1, vm2  }
0x16e: {  	v4 =	vld [tilespmem:$0x10220];
	vm1 =	vmor vm3, vm1  }
0x16f: {  	v5 =	vld [tilespmem:$0x101A0];
	v0 =	vnsel vm1, $0xF149F2CA, v0;
	v1 =	vnsel vm1, $0x40000000, v1  }
0x170: {  	vm2 =	veq.f32 v3, v0;
	vm3 =	vlt.s32 v2, v1  }
0x171: {  	vm4 =	vgt.f32 v3, v0;
	vm2 =	vmand vm2, vm3  }
0x172: {  	v6 =	vld [tilespmem:$0x10230];
	vm2 =	vmor vm4, vm2  }
0x173: {  	v0 =	vsel vm2, v3, v0;
	v1 =	vsel vm2, v2, v1;
	v2 =	vld [tilespmem:$0x101B0]  }
0x174: {  	vm3 =	veq.f32 v5, v0;
	vm10 =	vlt.s32 v4, v1  }
0x175: {  	vm5 =	vgt.f32 v5, v0;
	vm3 =	vmand vm3, vm10  }
0x176: {  	v3 =	vld [tilespmem:$0x10240];
	vm3 =	vmor vm5, vm3  }
0x177: {  	v0 =	vsel vm3, v5, v0;
	v1 =	vsel vm3, v4, v1;
	v4 =	vld [tilespmem:$0x101C0]  }
0x178: {  	vm11 =	veq.f32 v2, v0;
	vm12 =	vlt.s32 v6, v1  }
0x179: {  	vm6 =	vgt.f32 v2, v0;
	vm4 =	vmand vm11, vm12  }
0x17a: {  	vm4 =	vmor vm6, vm4  }
0x17b: {  	v0 =	vsel vm4, v2, v0;
	v1 =	vsel vm4, v6, v1  }
0x17c: {  	vm13 =	veq.f32 v4, v0;
	vm14 =	vlt.s32 v3, v1  }
0x17d: {  	vm7 =	vgt.f32 v4, v0;
	vm5 =	vmand vm13, vm14  }
0x17e: {  	vm5 =	vmor vm7, vm5  }
0x17f: {  	v0 =	vsel vm5, v4, v0  }
0x180: {  	(xrf0) =	vmax.scan.msk.f32 $0xffff, v0;
	_ =	sdelay $0x5  }
0x181: {  	v2, _, _ =	vpop (xrf0)  }
0x182: {  	v4 =	vbroadcast v2, $0xF  }
0x183: {  	v1 =	vsel vm5, v3, v1  }
0x184: {  	v3 =	vxor.u32 $0x80000000, v1;
	vm15 =	veq.f32 v0, v4  }
0x185: {  	v3 =	vnsel vm15, $0xC0000000, v3  }
0x186: {  	(xrf0) =	vmin.scan.msk.u32 $0xffff, v3;
	_ =	sdelay $0x1  }
0x187: {  	(v2sf) =	vpush v2, $0xF;
	_ =	sdelay $0x3  }
0x188: {  	v2, _, _ =	vpop (xrf0)  }
0x189: {  	(v2sf) =	vpush v2, $0xF;
	_ =	sdelay $0x9  }
0x18a: {  	s5 =	spop (v2sf)  }
0x18b: {  	p2 =	sge.f32 s5, $0.0e+00;
	_ =	sdelay $0x1  }
0x18c: {  	v2 =	vlaneseq.u32 @p2  }
0x18d: {  	v3 =	vor.u32 @p2 $0x80000000, v2  }
0x18e: {  	v5 =	vor.u32 @p2 $0x80000010, v2;
	v3 =	vnsel @p2 vm1, $0xC0000000, v3;
	s31 =	spop (v2sf)  }
0x18f: {  	vm1 =	veq.f32 @p2 v0, v4;
	v0 =	vsel @p2 vm2, v5, v3;
	v3 =	vor.u32 @p2 $0x80000020, v2;
	s5 =	sxor.u32 $0x80000000, s31  }
0x190: {  	v5 =	vor.u32 @p2 $0x80000030, v2;
	v0 =	vsel @p2 vm3, v3, v0;
	v6 =	vmov s5  }
0x191: {  	v2 =	vor.u32 @p2 $0x80000040, v2;
	v0 =	vsel @p2 vm4, v5, v0;
	vm2 =	veq.s32 @p2 v1, v6  }
0x192: {  	v0 =	vsel @p2 vm5, v2, v0;
	vm1 =	vmand @p2 vm1, vm2  }
0x193: {  	v0 =	vnsel @p2 vm1, $0xC0000000, v0  }
0x194: {  	(xrf0) =	vmin.scan.msk.u32 @p2 $0xffff, v0;
	_ =	sdelay $0x5  }
0x195: {  	v0, _, _ =	vpop @p2 (xrf0)  }
0x196: {  	(v2sf) =	vpush @p2 v0, $0xF;
	_ =	sdelay $0xd  }
0x197: {  	s6 =	simm.s32 $0x0  }
0x198: {  	v1 =	vmov s6;
	s6 =	spop @p2 (v2sf)  }
0x199: {  	s6 =	sxor.u32 @p2 $0x80000000, s6  }
0x19a: {  	v3 =	vmov @p2 s6  }
0x19b: {  	vm1 =	vmmov vm0;
	v0 =	vlaneseq.u32  }
0x19c: {  	vm1 =	vmneg @p2 vm1;
	vm2 =	veq.s32 v1, v0  }
0x19d: {  	v2 =	vimm.f32 $-1.000000020e+30;
	v1 =	vimm.s32 $0x0;
	vm1 =	vmand vm2, vm1  }
0x19e: {  	v1 =	vsel vm1, s5, v1;
	s5 =	simm.s32 $0x1;
	v2 =	vsel vm1, v4, v2;
	v4 =	vimm.f32 @p2 $-1.000000020e+30;
	s6 =	simm.s32 @p2 $0x10180  }
.LBB2_26:
0x19f: {  	[tilespmem:v3+s6+$0x0] =	vst.idx.msk @p2 $0x1, v4;
	s6 =	smov.u32 s5;
	s5 =	sadd.s32 $0x1, s5  }
0x1a0: {  	v3 =	vld [tilespmem:$0x10180];
	p1 =	sne.s32 s5, $0xF  }
0x1a1: {  	v4 =	vld [tilespmem:$0x10200];
	_ =	sdelay $0x2  }
0x1a2: {  	v5 =	vld [tilespmem:$0x10210]  }
0x1a3: {  	v3 =	vpsel p0, $0xF149F2CA, v3;
	v6 =	vld [tilespmem:$0x10190]  }
0x1a4: {  	vm1 =	veq.f32 v3, $-1.000000020e+30;
	vm2 =	vlt.s32 v4, $0x40000000  }
0x1a5: {  	vm3 =	vgt.f32 v3, $-1.000000020e+30;
	vm1 =	vmand vm1, vm2  }
0x1a6: {  	vm1 =	vmor vm3, vm1;
	v7 =	vld [tilespmem:$0x10220]  }
0x1a7: {  	v3 =	vnsel vm1, $0xF149F2CA, v3;
	v4 =	vnsel vm1, $0x40000000, v4;
	v8 =	vld [tilespmem:$0x101A0]  }
0x1a8: {  	vm2 =	veq.f32 v6, v3;
	vm3 =	vlt.s32 v5, v4  }
0x1a9: {  	vm4 =	vgt.f32 v6, v3;
	vm2 =	vmand vm2, vm3  }
0x1aa: {  	vm2 =	vmor vm4, vm2;
	v9 =	vld [tilespmem:$0x10230]  }
0x1ab: {  	v3 =	vsel vm2, v6, v3;
	v4 =	vsel vm2, v5, v4;
	v5 =	vld [tilespmem:$0x101B0]  }
0x1ac: {  	vm3 =	veq.f32 v8, v3;
	vm4 =	vlt.s32 v7, v4  }
0x1ad: {  	vm5 =	vgt.f32 v8, v3;
	vm3 =	vmand vm3, vm4  }
0x1ae: {  	vm3 =	vmor vm5, vm3;
	v6 =	vld [tilespmem:$0x10240]  }
0x1af: {  	v3 =	vsel vm3, v8, v3;
	v4 =	vsel vm3, v7, v4;
	v7 =	vld [tilespmem:$0x101C0]  }
0x1b0: {  	vm4 =	veq.f32 v5, v3;
	vm5 =	vlt.s32 v9, v4  }
0x1b1: {  	vm6 =	vgt.f32 v5, v3;
	vm4 =	vmand vm4, vm5  }
0x1b2: {  	vm4 =	vmor vm6, vm4  }
0x1b3: {  	v3 =	vsel vm4, v5, v3;
	v4 =	vsel vm4, v9, v4  }
0x1b4: {  	vm5 =	veq.f32 v7, v3;
	vm6 =	vlt.s32 v6, v4  }
0x1b5: {  	vm7 =	vgt.f32 v7, v3;
	vm5 =	vmand vm5, vm6  }
0x1b6: {  	vm5 =	vmor vm7, vm5  }
0x1b7: {  	v3 =	vsel vm5, v7, v3;
	v4 =	vsel vm5, v6, v4  }
0x1b8: {  	(xrf0) =	vmax.scan.msk.f32 $0xffff, v3;
	_ =	sdelay $0x5  }
0x1b9: {  	v5, _, _ =	vpop (xrf0)  }
0x1ba: {  	v6 =	vbroadcast v5, $0xF;
	(v2sf) =	vpush v5, $0xF;
	_ =	sdelay $0x1  }
0x1bb: {  	v5 =	vxor.u32 $0x80000000, v4;
	vm6 =	veq.f32 v3, v6  }
0x1bc: {  	v5 =	vnsel vm6, $0xC0000000, v5  }
0x1bd: {  	(xrf0) =	vmin.scan.msk.u32 $0xffff, v5;
	_ =	sdelay $0x5  }
0x1be: {  	v5, _, _ =	vpop (xrf0)  }
0x1bf: {  	(v2sf) =	vpush v5, $0xF;
	_ =	sdelay $0x3  }
0x1c0: {  	s7 =	spop (v2sf);
	_ =	sdelay $0x6  }
0x1c1: {  	p2 =	sge.f32 s7, $0.0e+00  }
0x1c2: {  	vm6 =	vmmov vm0;
	v5 =	vmov s6  }
0x1c3: {  	vm6 =	vmneg @p2 vm6;
	vm7 =	veq.f32 @p2 v3, v6;
	v3 =	vlaneseq.u32 @p2  }
0x1c4: {  	vm8 =	veq.s32 v5, v0;
	v5 =	vor.u32 @p2 $0x80000000, v3;
	v7 =	vor.u32 @p2 $0x80000010, v3  }
0x1c5: {  	v8 =	vor.u32 @p2 $0x80000030, v3;
	v9 =	vor.u32 @p2 $0x80000040, v3;
	v5 =	vnsel @p2 vm1, $0xC0000000, v5;
	s6 =	spop (v2sf)  }
0x1c6: {  	v3 =	vor.u32 @p2 $0x80000020, v3;
	vm1 =	vmand vm8, vm6;
	v5 =	vsel @p2 vm2, v7, v5;
	s6 =	sxor.u32 $0x80000000, s6  }
0x1c7: {  	v3 =	vsel @p2 vm3, v3, v5;
	v7 =	vmov s6;
	v1 =	vsel vm1, s6, v1  }
0x1c8: {  	v2 =	vsel vm1, v6, v2;
	v3 =	vsel @p2 vm4, v8, v3;
	vm1 =	veq.s32 @p2 v4, v7  }
0x1c9: {  	v3 =	vsel @p2 vm5, v9, v3;
	vm1 =	vmand @p2 vm7, vm1  }
0x1ca: {  	v3 =	vnsel @p2 vm1, $0xC0000000, v3  }
0x1cb: {  	(xrf0) =	vmin.scan.msk.u32 @p2 $0xffff, v3;
	_ =	sdelay $0x5  }
0x1cc: {  	v3, _, _ =	vpop @p2 (xrf0)  }
0x1cd: {  	(v2sf) =	vpush @p2 v3, $0xF;
	_ =	sdelay $0xe  }
0x1ce: {  	s6 =	spop @p2 (v2sf)  }
0x1cf: {  	s6 =	sxor.u32 @p2 $0x80000000, s6  }
.Ltmp21:
0x1d0: {  	v3 =	vmov @p2 s6;
	(pc) =	sbr.rel @p1 .LBB2_26-.Ltmp21, $2  }
0x1d1: {  	_ =	sdelay $0x2  }
0x1d2: {  	v4 =	vimm.f32 @p2 $-1.000000020e+30;
	s6 =	simm.s32 @p2 $0x10180  }
0x1d3: {  	_ =	sdelay $0x3  }
0x1d4: {  	[tilespmem:v3+s6+$0x0] =	vst.idx.msk @p2 $0x1, v4  }
0x1d5: {  	s30 =	sshll.u32 s1, $0x4;
	_ =	strace $0x9000004B;
	[tilespmem:$0x10280] =	vst v2  }
0x1d6: {  	s7 =	simm.s32 $0x10280;
	s5 =	sadd.s32 s30, s4;
	[tilespmem:$0x10300] =	vst v1  }
0x1d7: {  	[spmem:s5] =	stream.linear.scatter [tilespmem:s7], [sflag:$0x1], $0x10, $0x38;
	[tilespmem:$0x116B0] =	vst v63  }
0x1d8: {  	s5 =	simm.s32 $0x1  }
0x1d9: {  	_ =	swait.ge [sflag:s5], $0x10  }
0x1da: {  	s31 =	simm.s32 $0x10300;
	p0 =	sne.s32 s1, $0x1;
	[sflag:s5] =	ssyncset.done $0x0  }
.Ltmp22:
0x1db: {  	s6 =	sadd.s32 s30, s3;
	[sflag:s5] =	ssyncadd.s32 $0xFFFFFFF0;
	(pc) =	sbr.rel @p0 .LBB2_29-.Ltmp22, $4  }
0x1dc: {  	[spmem:s6] =	stream.linear.scatter [tilespmem:s31], [sflag:$0x1], $0x10, $0x38;
	[tilespmem:$0x116B0] =	vst v63  }
0x1dd: {  	_ =	swait.ge [sflag:s5], $0x10  }
0x1de: {  	[sflag:s5] =	ssyncset.done $0x0  }
0x1df: {  	[sflag:s5] =	ssyncadd.s32 $0xFFFFFFF0  }
0x1e0: {  	s2 =	sadd.s32 $0x100, s4;
	s29 =	simm.s32 $0x10180  }
0x1e1: {  	[spmem:s2] =	stream.linear.scatter [tilespmem:s29], [sflag:$0x1], $0x10, $0x38;
	[tilespmem:$0x116B0] =	vst v63  }
0x1e2: {  	_ =	swait.ge [sflag:s5], $0x10  }
0x1e3: {  	[sflag:s5] =	ssyncset.done $0x0  }
0x1e4: {  	s30 =	sadd.s32 $0x100, s3;
	s31 =	simm.s32 $0x10200;
	[sflag:s5] =	ssyncadd.s32 $0xFFFFFFF0  }
0x1e5: {  	[spmem:s30] =	stream.linear.scatter [tilespmem:s31], [sflag:$0x1], $0x10, $0x38;
	[tilespmem:$0x116B0] =	vst v63  }
0x1e6: {  	_ =	swait.ge [sflag:s5], $0x10  }
.Ltmp23:
0x1e7: {  	[sflag:s5] =	ssyncset.done $0x0;
	(pc) =	sbr.rel .LBB2_35-.Ltmp23, $4  }
0x1e8: {  	[sflag:s5] =	ssyncadd.s32 $0xFFFFFFF0  }
0x1e9: {  	_ =	strace $0x8000004C  }
0x1ea: {  	[bflag:$0x0] =	sbarrier.arrive $0xFFFF  }
0x1eb: {  	_ =	strace $0x9000004C  }
.LBB2_29:
0x1ec: {  	_ =	strace $0x8000004C  }
0x1ed: {  	[bflag:$0x0] =	sbarrier.arrive $0xFFFF  }
0x1ee: {  	p0 =	sne.s32 s1, $0x0;
	_ =	strace $0x9000004C  }
0x1ef: {  	_ =	sfence.sel @p0 $0x180000  }
0x1f0: {  	[bflag:$0x0] =	sbarrier.arrive @p0 $0xFFFF  }
0x1f1: {  	_ =	strace @p0 $0x90000047  }
0x1f2: {  	[bflag:$0x2] =	sbarrier.arrive @p0 $0xFFFF  }
0x1f3: {  	_ =	shalt @p0  }
.LBB2_30:
0x1f4: {  	s5 =	simm.s32 $0x103B0;
	s6 =	simm.s32 $0x1  }
0x1f5: {  	[tilespmem:s5], [sflag:$0x1] =	stream.linear.gather [spmem:s4], $0x180, $0x38;
	[tilespmem:$0x116B0] =	vst v63  }
0x1f6: {  	_ =	swait.ge [sflag:s6], $0x180  }
0x1f7: {  	[sflag:s6] =	ssyncset.done $0x0  }
0x1f8: {  	s4 =	simm.s32 $0x10530;
	[sflag:s6] =	ssyncadd.s32 $0xFFFFFE80  }
0x1f9: {  	[tilespmem:s4], [sflag:$0x1] =	stream.linear.gather [spmem:s3], $0x180, $0x38;
	[tilespmem:$0x116B0] =	vst v63  }
0x1fa: {  	_ =	swait.ge [sflag:s6], $0x180  }
0x1fb: {  	[sflag:s6] =	ssyncset.done $0x0  }
0x1fc: {  	v0 =	vimm.f32 $-1.000000020e+30;
	v1 =	vimm.s32 $0x0;
	v2 =	vlaneseq.u32;
	s3 =	simm.s32 $0x0;
	[sflag:s6] =	ssyncadd.s32 $0xFFFFFE80  }
.LBB2_31:
0x1fd: {  	v7 =	vld [tilespmem:s5+$0x0]  }
0x1fe: {  	v5 =	vld [tilespmem:s4+$0x0];
	_ =	sdelay $0x2  }
0x1ff: {  	s7 =	simm.s32 $0x10  }
0x200: {  	v4 =	vimm.s32 $0x40000000;
	s8 =	simm.s32 $0x103C0;
	v6 =	vimm.f32 $-1.000000020e+30;
	s9 =	simm.s32 $0x10530;
	s6 =	simm.s32 $0x0;
	v3 =	vimm.s32 $0x40000000  }
.LBB2_32:
0x201: {  	v8 =	vld [tilespmem:s8+$0x0];
	vm1 =	veq.f32 v7, v6;
	vm2 =	vlt.s32 v5, v4;
	s9 =	sadd.s32 $0x10, s9;
	v9 =	vmov v5;
	s10 =	smov.u32 s7;
	p0 =	sne.s32 s7, $0xF0  }
.Ltmp24:
0x202: {  	s7 =	sadd.s32 $0x10, s7;
	vm3 =	vgt.f32 v7, v6;
	v5 =	vld [tilespmem:s9+$0x0];
	vm1 =	vmand vm1, vm2;
	(pc) =	sbr.rel @p0 .LBB2_32-.Ltmp24, $3  }
0x203: {  	v10 =	vor.u32 s6, v2;
	s6 =	smov.u32 s10;
	vm1 =	vmor vm3, vm1  }
0x204: {  	v6 =	vsel vm1, v7, v6;
	v4 =	vsel vm1, v9, v4;
	v3 =	vsel vm1, v10, v3;
	_ =	sdelay $0x1  }
0x205: {  	s8 =	sadd.s32 $0x10, s8;
	v7 =	vmov v8  }
0x206: {  	vm1 =	veq.f32 v7, v6;
	vm2 =	vlt.s32 v5, v4  }
0x207: {  	vm3 =	vgt.f32 v7, v6;
	vm1 =	vmand vm1, vm2  }
0x208: {  	vm1 =	vmor vm3, vm1  }
0x209: {  	v6 =	vsel vm1, v7, v6  }
0x20a: {  	(xrf0) =	vmax.scan.msk.f32 $0xffff, v6;
	_ =	sdelay $0x5  }
0x20b: {  	v61, _, _ =	vpop (xrf0)  }
0x20c: {  	v8 =	vbroadcast v61, $0xF  }
0x20d: {  	v4 =	vsel vm1, v5, v4  }
0x20e: {  	v5 =	vxor.u32 $0x80000000, v4;
	vm2 =	veq.f32 v6, v8  }
0x20f: {  	v5 =	vnsel vm2, $0xC0000000, v5  }
0x210: {  	(xrf0) =	vmin.scan.msk.u32 $0xffff, v5;
	_ =	sdelay $0x5  }
0x211: {  	(v2sf) =	vpush v61, $0xF;
	v5, _, _ =	vpop (xrf0)  }
0x212: {  	(v2sf) =	vpush v5, $0xF;
	_ =	sdelay $0xd  }
0x213: {  	s7 =	spop (v2sf)  }
0x214: {  	s8 =	spop (v2sf)  }
0x215: {  	p0 =	sge.f32 s7, $0.0e+00;
	s31 =	sxor.u32 $0x80000000, s8  }
0x216: {  	v62 =	vor.u32 s6, v2;
	v7 =	vmov s31  }
0x217: {  	v3 =	vsel vm1, v62, v3;
	vm1 =	veq.f32 @p0 v6, v8;
	vm2 =	veq.s32 @p0 v4, v7  }
0x218: {  	v3 =	vxor.u32 @p0 $0x80000000, v3;
	vm1 =	vmand @p0 vm1, vm2  }
0x219: {  	v3 =	vnsel @p0 vm1, $0xC0000000, v3  }
0x21a: {  	(xrf0) =	vmin.scan.msk.u32 @p0 $0xffff, v3;
	_ =	sdelay $0x5  }
0x21b: {  	v3, _, _ =	vpop @p0 (xrf0)  }
0x21c: {  	(v2sf) =	vpush @p0 v3, $0xF;
	_ =	sdelay $0xe  }
0x21d: {  	s6 =	spop @p0 (v2sf)  }
0x21e: {  	v63 =	vmov s3;
	s3 =	sadd.s32 $0x1, s3;
	s6 =	sxor.u32 @p0 $0x80000000, s6  }
0x21f: {  	p1 =	sne.s32 s3, $0xF;
	v3 =	vmov @p0 s6  }
.Ltmp25:
0x220: {  	_ = 	snop;
	(pc) =	sbr.rel @p1 .LBB2_31-.Ltmp25, $4  }
0x221: {  	vm1 =	vmmov vm0  }
0x222: {  	vm2 =	veq.s32 v63, v2;
	vm1 =	vmneg @p0 vm1  }
0x223: {  	v4 =	vimm.f32 @p0 $-1.000000020e+30;
	vm1 =	vmand vm2, vm1;
	s6 =	simm.s32 @p0 $0x103B0  }
0x224: {  	v0 =	vsel vm1, v8, v0;
	v1 =	vsel vm1, s31, v1;
	[tilespmem:v3+s6+$0x0] =	vst.idx.msk @p0 $0x1, v4  }
0x225: {  	v2 =	vld [tilespmem:$0x104B0]  }
0x226: {  	v3 =	vld [tilespmem:$0x10630];
	_ =	sdelay $0x3  }
0x227: {  	vm0 =	vge.f32 v2, $0.0e+00  }
0x228: {  	v3 =	vnsel vm0, $0x0, v3  }
0x229: {  	v4 =	vadd.s32 $0x1390, v3  }
0x22a: {  	v5 =	vadd.s32 $0x2720, v3  }
0x22b: {  	v6 =	vadd.s32 $0x3AB0, v3  }
0x22c: {  	s3 =	simm.s32 $0x0;
	v7 =	vlaneseq.u32  }
0x22d: {  	v7 =	vmul.u32 $0x80, v7;
	v3 =	vld.idx.msk [tilespmem:v3+s3+$0x0], $0xffff  }
0x22e: {  	v4 =	vld.idx.msk [tilespmem:v4+s3+$0x0], $0xffff  }
0x22f: {  	v8 =	vor.u32 $0x1, v7;
	v5 =	vld.idx.msk [tilespmem:v5+s3+$0x0], $0xffff  }
0x230: {  	v9 =	vor.u32 $0x2, v7;
	v6 =	vld.idx.msk [tilespmem:v6+s3+$0x0], $0xffff  }
0x231: {  	v10 =	vor.u32 $0x3, v7  }
0x232: {  	s4 =	simm.s32 $0x106B0;
	v11 =	vor.u32 $0x4, v7;
	v3 =	vnsel vm0, $0x0, v3  }
0x233: {  	[tilespmem:v7+s4+$0x0] =	vst.idx.msk $0x7fff, v3;
	v50 =	vnsel vm0, $0x0, v4  }
0x234: {  	v52 =	vadd.s32 $0x1390, v1;
	v51 =	vnsel vm0, $0x0, v5;
	[tilespmem:v8+s4+$0x0] =	vst.idx.msk $0x7fff, v50  }
0x235: {  	v54 =	vadd.s32 $0x2720, v1;
	v53 =	vnsel vm0, $0x0, v6;
	[tilespmem:v9+s4+$0x0] =	vst.idx.msk $0x7fff, v51  }
0x236: {  	v55 =	vadd.s32 $0x3AB0, v1;
	v2 =	vnsel vm0, $0x0, v2;
	[tilespmem:v10+s4+$0x0] =	vst.idx.msk $0x7fff, v53  }
0x237: {  	[tilespmem:v11+s4+$0x0] =	vst.idx.msk $0x7fff, v2  }
0x238: {  	v56 =	vld.idx.msk [tilespmem:v1+s3+$0x0], $0xffff  }
0x239: {  	v57 =	vadd.s32 $0x780, v7;
	v2 =	vld.idx.msk [tilespmem:v52+s3+$0x0], $0xffff  }
0x23a: {  	v58 =	vadd.s32 $0x781, v7;
	v5 =	vld.idx.msk [tilespmem:v54+s3+$0x0], $0xffff  }
0x23b: {  	v59 =	vadd.s32 $0x782, v7;
	v3 =	vld.idx.msk [tilespmem:v55+s3+$0x0], $0xffff  }
0x23c: {  	vm15 =	vge.f32 v0, $0.0e+00;
	v60 =	vadd.s32 $0x783, v7  }
0x23d: {  	v7 =	vadd.s32 $0x784, v7;
	v1 =	vnsel vm15, $0x0, v56  }
0x23e: {  	v61 =	vnsel vm15, $0x0, v2;
	[tilespmem:v57+s4+$0x0] =	vst.idx.msk $0x7fff, v1  }
0x23f: {  	v62 =	vnsel vm15, $0x0, v5;
	[tilespmem:v58+s4+$0x0] =	vst.idx.msk $0x7fff, v61  }
0x240: {  	v63 =	vnsel vm15, $0x0, v3;
	[tilespmem:v59+s4+$0x0] =	vst.idx.msk $0x7fff, v62  }
0x241: {  	v0 =	vnsel vm15, $0x0, v0;
	[tilespmem:v60+s4+$0x0] =	vst.idx.msk $0x7fff, v63  }
0x242: {  	s31 =	simm.s32 $0x1;
	[tilespmem:v7+s4+$0x0] =	vst.idx.msk $0x7fff, v0  }
0x243: {  	[hbm4b:s2+s3] =	stream.linear.scatter [tilespmem:s4], [sflag:$0x1], $0xF00, $0x38;
	[tilespmem:$0x116B0] =	vst v63  }
0x244: {  	_ =	swait.ge [sflag:s31], $0xF00  }
0x245: {  	[sflag:s31] =	ssyncset.done $0x0  }
0x246: {  	[sflag:s31] =	ssyncadd.s32 $0xFFFFF100  }
.LBB2_35:
0x247: {  	_ =	sfence.sel $0x180000  }
0x248: {  	[bflag:$0x0] =	sbarrier.arrive $0xFFFF  }
0x249: {  	p0 =	sne.s32 s1, $0x0;
	_ =	strace $0x90000047  }
0x24a: {  	s0 =	sadd.s32 @!p0 $0x100000, s0;
	[bflag:$0x2] =	sbarrier.arrive $0xFFFF  }
0x24b: {  	[sflag:s0] =	ssyncadd.tile.s32 @!p0 $0x1;
	_ =	shalt  }
.Lfunc_end2:
_tile_overlayer_lowered:
.L_overlay_start_2:
0x24c: {  	(tag) =	ssettag $0x2  }
0x24d: {  	s0 =	rddreg [dreg:$0x0];
	s2 =	stileid.u32  }
0x24e: {  	s1 =	rddreg [dreg:$0x1];
	p0 =	sne.s32 s2, $0x0  }
0x24f: {  	s3 =	rddreg [dreg:$0x2];
	[bflag:$0x3] =	sbarrier.arrive $0xFFFF;
	s2 =	simm.s32 @!p0 $0x1C01  }
0x250: {  	[timem:s3], [sflag:s2] =	dma.local @!p0 [hbm:s0], s1  }
0x251: {  	s0 =	simm.s32 @!p0 $0x1  }
0x252: {  	_ =	swait.ge @!p0 [sflag:s0], s1  }
0x253: {  	s1 =	ssub.s32 @!p0 $0x0, s1;
	[sflag:s0] =	ssyncset.done @!p0 $0x0  }
0x254: {  	[sflag:s0] =	ssyncadd.s32 @!p0 s1  }
0x255: {  	[bflag:$0x3] =	sbarrier.arrive $0xFFFF  }
0x256: {  	_ =	shalt  }

</sc_bundles>
